<compile_context>
chip_gen: v7x
topology: tpu7x:2x2x1
jax: 0.10.2.dev20260603
libtpu: 0.0.44.dev20260713+nightly
codegen_flags: <defaults>
</compile_context>

<pallas_src>
import jax
import jax.numpy as jnp
from jax import lax
from jax.experimental import pallas as pl
from jax.experimental.pallas import tpu as pltpu
from jax.experimental.pallas import tpu_sc as plsc

N = 10000
D = 128
E = 160000
R = 3

NP = 10240
NW = 32
CH = 96
EP = 165888
NCH = EP // (NW * CH)
TPE = NCH * CH
ROWS_PER_TILE = NP // 16
DW = 16


def _sc_body(x_hbm, srcs_hbm, dsts_hbm, zf_hbm, zd_hbm, oh_hbm,
             feat_hbm, deg_hbm,
             acc, dacc, src_v, dst_v, buf_a, buf_b, oh_v, sem_a, sem_b):
    cid = lax.axis_index("c")
    sid = lax.axis_index("s")
    wid = sid * 2 + cid
    row0 = sid * ROWS_PER_TILE

    def wait(buf, sem):
        pltpu.make_async_copy(x_hbm.at[pl.ds(0, CH)], buf, sem).wait()

    def gather(j, buf, sem):
        pltpu.async_copy(x_hbm.at[src_v.at[pl.ds(j * CH, CH)]], buf, sem)

    def scatter(j, buf):
        idx = dst_v.at[pl.ds(j * CH, CH)]
        pltpu.sync_copy(buf, acc.at[idx], add=True)
        pltpu.sync_copy(oh_v, dacc.at[idx], add=True)

    pltpu.sync_copy(oh_hbm, oh_v)
    pltpu.sync_copy(zf_hbm, acc.at[pl.ds(row0, ROWS_PER_TILE)])
    pltpu.sync_copy(zd_hbm, dacc.at[pl.ds(row0, ROWS_PER_TILE)])

    for r in range(R):
        base = (r * NW + wid) * TPE
        pltpu.sync_copy(srcs_hbm.at[pl.ds(base, TPE)], src_v)
        pltpu.sync_copy(dsts_hbm.at[pl.ds(base, TPE)], dst_v)
        plsc.subcore_barrier()

        gather(0, buf_a, sem_a)

        def body(t, carry):
            j0 = 2 * t
            gather(j0 + 1, buf_b, sem_b)
            wait(buf_a, sem_a)
            scatter(j0, buf_a)

            @pl.when(t < NCH // 2 - 1)
            def _():
                gather(j0 + 2, buf_a, sem_a)

            wait(buf_b, sem_b)
            scatter(j0 + 1, buf_b)
            return carry

        lax.fori_loop(0, NCH // 2, body, 0)
        plsc.subcore_barrier()
        pltpu.sync_copy(acc.at[pl.ds(row0, ROWS_PER_TILE)],
                        feat_hbm.at[r, cid, pl.ds(row0, ROWS_PER_TILE)])
        pltpu.sync_copy(dacc.at[pl.ds(row0, ROWS_PER_TILE)],
                        deg_hbm.at[r, cid, pl.ds(row0, ROWS_PER_TILE)])
        plsc.subcore_barrier()


def _norm_body(deg_ref, o_ref):
    g16 = jnp.where(
        lax.broadcasted_iota(jnp.int32, (D, 8), 0) // DW
        == lax.broadcasted_iota(jnp.int32, (D, 8), 1), 1.0, 0.0)
    d_prev = jnp.zeros((NP // 8, 8), jnp.float32)
    for r in range(R):
        dd = deg_ref[r, 0] + deg_ref[r, 1]
        d_cum = jnp.dot(dd, g16, preferred_element_type=jnp.float32)
        d = d_cum - d_prev
        d_prev = d_cum
        o_ref[r] = jnp.where(d > 0, 1.0 / jnp.maximum(d, 1.0), 0.0)


def _tc_body(x_ref, feat_ref, nrm_ref, w_ref, lw_ref, b_ref, o_ref):
    blk = x_ref.shape[0]
    h = jnp.dot(x_ref[...], lw_ref[...], preferred_element_type=jnp.float32)
    f_prev = jnp.zeros((blk, D), jnp.float32)
    for r in range(R):
        f_cum = (feat_ref[r, 0].astype(jnp.float32)
                 + feat_ref[r, 1].astype(jnp.float32))
        f = f_cum - f_prev
        f_prev = f_cum
        h = h + jnp.dot(f * nrm_ref[:, r:r + 1], w_ref[r],
                        preferred_element_type=jnp.float32)
    o_ref[...] = jnp.maximum(h + b_ref[...], 0.0)


def kernel(x, W, loop_weight, h_bias, edge_index_mm, edge_index_sm,
           edge_index_ss):
    pad = EP - E
    pad_src = (jnp.arange(pad, dtype=jnp.int32) * 37) % N
    pad_dst = N + (jnp.arange(pad, dtype=jnp.int32) % (NP - N))

    edges = (edge_index_mm, edge_index_sm, edge_index_ss)
    srcs = jnp.concatenate([p for e in edges for p in (e[0], pad_src)])
    dsts = jnp.concatenate([p for e in edges for p in (e[1], pad_dst)])
    zf = jnp.zeros((ROWS_PER_TILE, D), jnp.bfloat16)
    zd = jnp.zeros((ROWS_PER_TILE, DW), jnp.float32)
    oh = jnp.zeros((CH, DW), jnp.float32).at[:, 0].set(1.0)

    mesh = plsc.VectorSubcoreMesh(core_axis_name="c", subcore_axis_name="s",
                                  num_cores=2, num_subcores=16)
    xb = x.astype(jnp.bfloat16)
    feat, degs = pl.kernel(
        _sc_body,
        out_type=(jax.ShapeDtypeStruct((R, 2, NP, D), jnp.bfloat16),
                  jax.ShapeDtypeStruct((R, 2, NP, DW), jnp.float32)),
        mesh=mesh,
        scratch_types=[
            pltpu.VMEM_SHARED((NP, D), jnp.bfloat16),
            pltpu.VMEM_SHARED((NP, DW), jnp.float32),
            pltpu.VMEM((TPE,), jnp.int32),
            pltpu.VMEM((TPE,), jnp.int32),
            pltpu.VMEM((CH, D), jnp.bfloat16),
            pltpu.VMEM((CH, D), jnp.bfloat16),
            pltpu.VMEM((CH, DW), jnp.float32),
            pltpu.SemaphoreType.DMA,
            pltpu.SemaphoreType.DMA,
        ],
        compiler_params=pltpu.CompilerParams(use_tc_tiling_on_sc=False),
    )(xb, srcs, dsts, zf, zd, oh)

    degs = degs.reshape(R, 2, NP * DW // D, D)
    norms = pl.pallas_call(
        _norm_body,
        out_shape=jax.ShapeDtypeStruct((R, NP // 8, 8), jnp.float32),
        grid=(1,),
        in_specs=[pl.BlockSpec((R, 2, NP * DW // D, D), lambda i: (0, 0, 0, 0))],
        out_specs=pl.BlockSpec((R, NP // 8, 8), lambda i: (0, 0, 0)),
    )(degs)
    norms_t = norms.reshape(R, NP).T

    blk = 512
    out = pl.pallas_call(
        _tc_body,
        out_shape=jax.ShapeDtypeStruct((N, D), jnp.float32),
        grid=((N + blk - 1) // blk,),
        in_specs=[
            pl.BlockSpec((blk, D), lambda i: (i, 0)),
            pl.BlockSpec((R, 2, blk, D), lambda i: (0, 0, i, 0)),
            pl.BlockSpec((blk, R), lambda i: (i, 0)),
            pl.BlockSpec((R, D, D), lambda i: (0, 0, 0)),
            pl.BlockSpec((D, D), lambda i: (0, 0)),
            pl.BlockSpec((1, D), lambda i: (0, 0)),
        ],
        out_specs=pl.BlockSpec((blk, D), lambda i: (i, 0)),
    )(x, feat, norms_t, W, loop_weight, h_bias.reshape(1, D))
    return out

# --- scband reference (transcript-rebuilt; emitter-appended) ---
"""Pipeline reference for scband-gitmodel-32873679683920 (READ-ONLY COPY).

The authoritative reference and input builder live on the scoring server;
editing this copy changes nothing except your own understanding.
"""

import jax, jax.numpy as jnp
import numpy as np

N = 10000
D = 128
E = 160000
R = 3

def setup_inputs(seed: int = 0) -> dict:
    key = jax.random.key(seed)
    ks = jax.random.split(key, 8)
    x = jax.random.normal(ks[0], (N, D), dtype=jnp.float32)
    # xavier_uniform with relu gain, as in the torch module
    gain = float(np.sqrt(2.0))
    scale = gain * float(np.sqrt(6.0 / (D + D)))
    W = jax.random.uniform(ks[1], (R, D, D), dtype=jnp.float32, minval=-scale, maxval=scale)
    loop_weight = jax.random.uniform(ks[2], (D, D), dtype=jnp.float32, minval=-scale, maxval=scale)
    h_bias = jnp.zeros((D,), dtype=jnp.float32)
    edge_index_mm = jax.random.randint(ks[3], (2, E), 0, N, dtype=jnp.int32)
    edge_index_sm = jax.random.randint(ks[4], (2, E), 0, N, dtype=jnp.int32)
    edge_index_ss = jax.random.randint(ks[5], (2, E), 0, N, dtype=jnp.int32)
    return {
        'x': x,
        'W': W,
        'loop_weight': loop_weight,
        'h_bias': h_bias,
        'edge_index_mm': edge_index_mm,
        'edge_index_sm': edge_index_sm,
        'edge_index_ss': edge_index_ss,
    }

def reference(x, W, loop_weight, h_bias, edge_index_mm, edge_index_sm, edge_index_ss):
    # RelGraphConvLayer: per-relation GraphConv(norm='right', external weight),
    # summed across relations, plus self-loop, bias, ReLU (dropout=0.0 -> identity).
    n = x.shape[0]
    h = jnp.zeros((n, W.shape[-1]), dtype=x.dtype)
    edges = (edge_index_mm, edge_index_sm, edge_index_ss)
    for r in range(len(edges)):
        ei = edges[r]
        src = ei[0]
        dst = ei[1]
        # gather source features (message)
        msg = jnp.take(x, src, axis=0)
        # scatter-add aggregation by destination node
        agg = jax.ops.segment_sum(msg, dst, num_segments=n)
        # norm='right': divide by in-degree of dst (0-degree -> 0, matching DGL inf->0)
        deg = jax.ops.segment_sum(jnp.ones(src.shape[0], dtype=x.dtype), dst, num_segments=n)
        norm = jnp.where(deg > 0, 1.0 / jnp.maximum(deg, 1.0), 0.0)
        agg = agg * norm[:, None]
        # per-relation weight (aggregate-then-transform; equivalent since linear)
        h = h + agg @ W[r]
    # self loop + bias + activation
    h = h + x @ loop_weight
    h = h + h_bias
    return jax.nn.relu(h)

if __name__ == "__main__":
    import jax
    _d = setup_inputs()
    print(jax.jit(kernel)(*tuple(_d.values())))

</pallas_src>

<mosaic_0001>
#map = affine_map<(d0, d1) -> (0, 0)>
#map1 = affine_map<(d0, d1) -> (0)>
#map2 = affine_map<(d0, d1) -> (0, 0, 0, 0)>
module attributes {stable_mosaic.version = 14 : i64} {
  func.func @_sc_body(%arg0: i32, %arg1: i32, %arg2: memref<10000x128xbf16, #tpu.memory_space<hbm>>, %arg3: memref<497664xi32, #tpu.memory_space<hbm>>, %arg4: memref<497664xi32, #tpu.memory_space<hbm>>, %arg5: memref<640x128xbf16, #tpu.memory_space<hbm>>, %arg6: memref<640x16xf32, #tpu.memory_space<hbm>>, %arg7: memref<96x16xf32, #tpu.memory_space<hbm>>, %arg8: memref<3x2x10240x128xbf16, #tpu.memory_space<hbm>>, %arg9: memref<3x2x10240x16xf32, #tpu.memory_space<hbm>>, %arg10: memref<10240x128xbf16, #tpu.memory_space<vmem_shared>>, %arg11: memref<10240x16xf32, #tpu.memory_space<vmem_shared>>, %arg12: memref<5184xi32, #tpu.memory_space<vmem>>, %arg13: memref<5184xi32, #tpu.memory_space<vmem>>, %arg14: memref<96x128xbf16, #tpu.memory_space<vmem>>, %arg15: memref<96x128xbf16, #tpu.memory_space<vmem>>, %arg16: memref<96x16xf32, #tpu.memory_space<vmem>>, %arg17: memref<!tpu.dma_semaphore, #tpu.memory_space<semaphore_mem>>, %arg18: memref<!tpu.dma_semaphore, #tpu.memory_space<semaphore_mem>>) attributes {dimension_semantics = [#tpu.dimension_semantics<core_parallel>, #tpu.dimension_semantics<subcore_parallel>], iteration_bounds = array<i64: 2, 16>, scalar_prefetch = 0 : i64, scratch_operands = 9 : i64, tpu.core_type = #tpu.core_type<sc_vector_subcore>, window_params = [{transform_indices = #map}, {transform_indices = #map1}, {transform_indices = #map1}, {transform_indices = #map}, {transform_indices = #map}, {transform_indices = #map}, {transform_indices = #map2}, {transform_indices = #map2}]} {
    %mul3A = arith.constant 2 : i32
    %mul3A_0 = arith.muli %arg1, %mul3A : i32
    %add3A = arith.addi %mul3A_0, %arg0 : i32
    %mul3A_1 = arith.constant 640 : i32
    %mul3A_2 = arith.muli %arg1, %mul3A_1 : i32
    "tpu.region"() ({
      %run_scoped3A_59 = tpu.sem_alloc : memref<!tpu.dma_semaphore, #tpu.memory_space<semaphore_mem>>
      tpu.enqueue_dma source(%arg7 : memref<96x16xf32, #tpu.memory_space<hbm>>) target(%arg16 : memref<96x16xf32, #tpu.memory_space<vmem>>) target_semaphore(%run_scoped3A_59 : memref<!tpu.dma_semaphore, #tpu.memory_space<semaphore_mem>>)
      tpu.wait_dma2 semaphore(%run_scoped3A_59 : memref<!tpu.dma_semaphore, #tpu.memory_space<semaphore_mem>>) src(%arg7 : memref<96x16xf32, #tpu.memory_space<hbm>>) dst(%arg16 : memref<96x16xf32, #tpu.memory_space<vmem>>)
      tpu.yield
    }) : () -> ()
    "tpu.region"() ({
      %run_scoped3A_59 = tpu.sem_alloc : memref<!tpu.dma_semaphore, #tpu.memory_space<semaphore_mem>>
      %dma_start3A_60 = arith.constant 0 : i32
      %dma_start3A_61 = tpu.memref_slice %arg10[%mul3A_2, %dma_start3A_60] : memref<10240x128xbf16, #tpu.memory_space<vmem_shared>> -> memref<640x128xbf16, #tpu.memory_space<vmem_shared>>
      tpu.enqueue_dma source(%arg5 : memref<640x128xbf16, #tpu.memory_space<hbm>>) target(%dma_start3A_61 : memref<640x128xbf16, #tpu.memory_space<vmem_shared>>) target_semaphore(%run_scoped3A_59 : memref<!tpu.dma_semaphore, #tpu.memory_space<semaphore_mem>>)
      %dma_wait3A = arith.constant 0 : i32
      %dma_wait3A_62 = tpu.memref_slice %arg10[%mul3A_2, %dma_wait3A] : memref<10240x128xbf16, #tpu.memory_space<vmem_shared>> -> memref<640x128xbf16, #tpu.memory_space<vmem_shared>>
      tpu.wait_dma2 semaphore(%run_scoped3A_59 : memref<!tpu.dma_semaphore, #tpu.memory_space<semaphore_mem>>) src(%arg5 : memref<640x128xbf16, #tpu.memory_space<hbm>>) dst(%dma_wait3A_62 : memref<640x128xbf16, #tpu.memory_space<vmem_shared>>)
      tpu.yield
    }) : () -> ()
    "tpu.region"() ({
      %run_scoped3A_59 = tpu.sem_alloc : memref<!tpu.dma_semaphore, #tpu.memory_space<semaphore_mem>>
      %dma_start3A_60 = arith.constant 0 : i32
      %dma_start3A_61 = tpu.memref_slice %arg11[%mul3A_2, %dma_start3A_60] : memref<10240x16xf32, #tpu.memory_space<vmem_shared>> -> memref<640x16xf32, #tpu.memory_space<vmem_shared>>
      tpu.enqueue_dma source(%arg6 : memref<640x16xf32, #tpu.memory_space<hbm>>) target(%dma_start3A_61 : memref<640x16xf32, #tpu.memory_space<vmem_shared>>) target_semaphore(%run_scoped3A_59 : memref<!tpu.dma_semaphore, #tpu.memory_space<semaphore_mem>>)
      %dma_wait3A = arith.constant 0 : i32
      %dma_wait3A_62 = tpu.memref_slice %arg11[%mul3A_2, %dma_wait3A] : memref<10240x16xf32, #tpu.memory_space<vmem_shared>> -> memref<640x16xf32, #tpu.memory_space<vmem_shared>>
      tpu.wait_dma2 semaphore(%run_scoped3A_59 : memref<!tpu.dma_semaphore, #tpu.memory_space<semaphore_mem>>) src(%arg6 : memref<640x16xf32, #tpu.memory_space<hbm>>) dst(%dma_wait3A_62 : memref<640x16xf32, #tpu.memory_space<vmem_shared>>)
      tpu.yield
    }) : () -> ()
    %add3A_3 = arith.constant 0 : i32
    %add3A_4 = arith.addi %add3A_3, %add3A : i32
    %mul3A_5 = arith.constant 5184 : i32
    %mul3A_6 = arith.muli %add3A_4, %mul3A_5 : i32
    "tpu.region"() ({
      %run_scoped3A_59 = tpu.sem_alloc : memref<!tpu.dma_semaphore, #tpu.memory_space<semaphore_mem>>
      %dma_start3A_60 = tpu.memref_slice %arg3[%mul3A_6] : memref<497664xi32, #tpu.memory_space<hbm>> -> memref<5184xi32, #tpu.memory_space<hbm>>
      %dma_start3A_61 = tpu.memref_slice %arg3[%mul3A_6] : memref<497664xi32, #tpu.memory_space<hbm>> -> memref<5184xi32, #tpu.memory_space<hbm>>
      tpu.enqueue_dma source(%dma_start3A_61 : memref<5184xi32, #tpu.memory_space<hbm>>) target(%arg12 : memref<5184xi32, #tpu.memory_space<vmem>>) target_semaphore(%run_scoped3A_59 : memref<!tpu.dma_semaphore, #tpu.memory_space<semaphore_mem>>)
      %dma_wait3A = tpu.memref_slice %arg3[%mul3A_6] : memref<497664xi32, #tpu.memory_space<hbm>> -> memref<5184xi32, #tpu.memory_space<hbm>>
      %dma_wait3A_62 = tpu.memref_slice %arg3[%mul3A_6] : memref<497664xi32, #tpu.memory_space<hbm>> -> memref<5184xi32, #tpu.memory_space<hbm>>
      tpu.wait_dma2 semaphore(%run_scoped3A_59 : memref<!tpu.dma_semaphore, #tpu.memory_space<semaphore_mem>>) src(%dma_wait3A_62 : memref<5184xi32, #tpu.memory_space<hbm>>) dst(%arg12 : memref<5184xi32, #tpu.memory_space<vmem>>)
      tpu.yield
    }) : () -> ()
    "tpu.region"() ({
      %run_scoped3A_59 = tpu.sem_alloc : memref<!tpu.dma_semaphore, #tpu.memory_space<semaphore_mem>>
      %dma_start3A_60 = tpu.memref_slice %arg4[%mul3A_6] : memref<497664xi32, #tpu.memory_space<hbm>> -> memref<5184xi32, #tpu.memory_space<hbm>>
      %dma_start3A_61 = tpu.memref_slice %arg4[%mul3A_6] : memref<497664xi32, #tpu.memory_space<hbm>> -> memref<5184xi32, #tpu.memory_space<hbm>>
      tpu.enqueue_dma source(%dma_start3A_61 : memref<5184xi32, #tpu.memory_space<hbm>>) target(%arg13 : memref<5184xi32, #tpu.memory_space<vmem>>) target_semaphore(%run_scoped3A_59 : memref<!tpu.dma_semaphore, #tpu.memory_space<semaphore_mem>>)
      %dma_wait3A = tpu.memref_slice %arg4[%mul3A_6] : memref<497664xi32, #tpu.memory_space<hbm>> -> memref<5184xi32, #tpu.memory_space<hbm>>
      %dma_wait3A_62 = tpu.memref_slice %arg4[%mul3A_6] : memref<497664xi32, #tpu.memory_space<hbm>> -> memref<5184xi32, #tpu.memory_space<hbm>>
      tpu.wait_dma2 semaphore(%run_scoped3A_59 : memref<!tpu.dma_semaphore, #tpu.memory_space<semaphore_mem>>) src(%dma_wait3A_62 : memref<5184xi32, #tpu.memory_space<hbm>>) dst(%arg13 : memref<5184xi32, #tpu.memory_space<vmem>>)
      tpu.yield
    }) : () -> ()
    %barrier3A = arith.constant 0 : index
    tpu.barrier barrier_id(%barrier3A)
    %dma_start3A = arith.constant 0 : i32
    %dma_start3A_7 = tpu.memref_slice %arg12[%dma_start3A] : memref<5184xi32, #tpu.memory_space<vmem>> -> memref<96xi32, #tpu.memory_space<vmem>>
    %dma_start3A_8 = arith.constant 0 : i32
    %dma_start3A_9 = arith.constant 0 : i32
    %dma_start3A_10 = tpu.memref_slice %arg2[%dma_start3A_8, %dma_start3A_9] : memref<10000x128xbf16, #tpu.memory_space<hbm>> -> memref<10000x128xbf16, #tpu.memory_space<hbm>>
    tpu.enqueue_indirect_dma source(%dma_start3A_10 : memref<10000x128xbf16, #tpu.memory_space<hbm>>) target(%arg14 : memref<96x128xbf16, #tpu.memory_space<vmem>>) offsets(%dma_start3A_7 : memref<96xi32, #tpu.memory_space<vmem>>) semaphore(%arg17 : memref<!tpu.dma_semaphore, #tpu.memory_space<semaphore_mem>>)
    %scan3A = arith.constant 0 : i32
    %scan3A_11 = arith.constant 0 : i32
    %scan3A_12 = arith.constant 27 : i32
    %scan3A_13 = arith.addi %scan3A_11, %scan3A_12 : i32
    %scan3A_14 = arith.constant 1 : i32
    scf.for %scan3A_59 = %scan3A_11 to %scan3A_13 step %scan3A_14  : i32 {
      %mul3A_60 = arith.constant 2 : i32
      %mul3A_61 = arith.muli %mul3A_60, %scan3A_59 : i32
      %add3A_62 = arith.constant 1 : i32
      %add3A_63 = arith.addi %mul3A_61, %add3A_62 : i32
      %mul3A_64 = arith.constant 96 : i32
      %mul3A_65 = arith.muli %add3A_63, %mul3A_64 : i32
      %dma_start3A_66 = tpu.memref_slice %arg12[%mul3A_65] : memref<5184xi32, #tpu.memory_space<vmem>> -> memref<96xi32, #tpu.memory_space<vmem>>
      %dma_start3A_67 = arith.constant 0 : i32
      %dma_start3A_68 = arith.constant 0 : i32
      %dma_start3A_69 = tpu.memref_slice %arg2[%dma_start3A_67, %dma_start3A_68] : memref<10000x128xbf16, #tpu.memory_space<hbm>> -> memref<10000x128xbf16, #tpu.memory_space<hbm>>
      tpu.enqueue_indirect_dma source(%dma_start3A_69 : memref<10000x128xbf16, #tpu.memory_space<hbm>>) target(%arg15 : memref<96x128xbf16, #tpu.memory_space<vmem>>) offsets(%dma_start3A_66 : memref<96xi32, #tpu.memory_space<vmem>>) semaphore(%arg18 : memref<!tpu.dma_semaphore, #tpu.memory_space<semaphore_mem>>)
      %dma_wait3A = arith.constant 0 : i32
      %dma_wait3A_70 = arith.constant 0 : i32
      %dma_wait3A_71 = tpu.memref_slice %arg2[%dma_wait3A, %dma_wait3A_70] : memref<10000x128xbf16, #tpu.memory_space<hbm>> -> memref<96x128xbf16, #tpu.memory_space<hbm>>
      %dma_wait3A_72 = arith.constant 0 : i32
      %dma_wait3A_73 = arith.constant 0 : i32
      %dma_wait3A_74 = tpu.memref_slice %arg2[%dma_wait3A_72, %dma_wait3A_73] : memref<10000x128xbf16, #tpu.memory_space<hbm>> -> memref<96x128xbf16, #tpu.memory_space<hbm>>
      tpu.wait_dma2 semaphore(%arg17 : memref<!tpu.dma_semaphore, #tpu.memory_space<semaphore_mem>>) src(%dma_wait3A_74 : memref<96x128xbf16, #tpu.memory_space<hbm>>) dst(%arg14 : memref<96x128xbf16, #tpu.memory_space<vmem>>)
      %mul3A_75 = arith.constant 96 : i32
      %mul3A_76 = arith.muli %mul3A_61, %mul3A_75 : i32
      "tpu.region"() ({
        %run_scoped3A_89 = tpu.sem_alloc : memref<!tpu.dma_semaphore, #tpu.memory_space<semaphore_mem>>
        %dma_start3A_90 = tpu.memref_slice %arg13[%mul3A_76] : memref<5184xi32, #tpu.memory_space<vmem>> -> memref<96xi32, #tpu.memory_space<vmem>>
        %dma_start3A_91 = arith.constant 0 : i32
        %dma_start3A_92 = arith.constant 0 : i32
        %dma_start3A_93 = tpu.memref_slice %arg10[%dma_start3A_91, %dma_start3A_92] : memref<10240x128xbf16, #tpu.memory_space<vmem_shared>> -> memref<10240x128xbf16, #tpu.memory_space<vmem_shared>>
        tpu.enqueue_indirect_dma source(%arg14 : memref<96x128xbf16, #tpu.memory_space<vmem>>) target(%dma_start3A_93 : memref<10240x128xbf16, #tpu.memory_space<vmem_shared>>) offsets(%dma_start3A_90 : memref<96xi32, #tpu.memory_space<vmem>>) semaphore(%run_scoped3A_89 : memref<!tpu.dma_semaphore, #tpu.memory_space<semaphore_mem>>) {add = true}
        %dma_wait3A_94 = tpu.memref_slice %arg13[%mul3A_76] : memref<5184xi32, #tpu.memory_space<vmem>> -> memref<96xi32, #tpu.memory_space<vmem>>
        %dma_wait3A_95 = arith.constant 0 : i32
        %dma_wait3A_96 = arith.constant 0 : i32
        %dma_wait3A_97 = tpu.memref_slice %arg10[%dma_wait3A_95, %dma_wait3A_96] : memref<10240x128xbf16, #tpu.memory_space<vmem_shared>> -> memref<10240x128xbf16, #tpu.memory_space<vmem_shared>>
        tpu.wait_indirect_dma semaphore(%run_scoped3A_89 : memref<!tpu.dma_semaphore, #tpu.memory_space<semaphore_mem>>) src(%arg14 : memref<96x128xbf16, #tpu.memory_space<vmem>>) dst(%dma_wait3A_97 : memref<10240x128xbf16, #tpu.memory_space<vmem_shared>>)
        tpu.yield
      }) : () -> ()
      "tpu.region"() ({
        %run_scoped3A_89 = tpu.sem_alloc : memref<!tpu.dma_semaphore, #tpu.memory_space<semaphore_mem>>
        %dma_start3A_90 = tpu.memref_slice %arg13[%mul3A_76] : memref<5184xi32, #tpu.memory_space<vmem>> -> memref<96xi32, #tpu.memory_space<vmem>>
        %dma_start3A_91 = arith.constant 0 : i32
        %dma_start3A_92 = arith.constant 0 : i32
        %dma_start3A_93 = tpu.memref_slice %arg11[%dma_start3A_91, %dma_start3A_92] : memref<10240x16xf32, #tpu.memory_space<vmem_shared>> -> memref<10240x16xf32, #tpu.memory_space<vmem_shared>>
        tpu.enqueue_indirect_dma source(%arg16 : memref<96x16xf32, #tpu.memory_space<vmem>>) target(%dma_start3A_93 : memref<10240x16xf32, #tpu.memory_space<vmem_shared>>) offsets(%dma_start3A_90 : memref<96xi32, #tpu.memory_space<vmem>>) semaphore(%run_scoped3A_89 : memref<!tpu.dma_semaphore, #tpu.memory_space<semaphore_mem>>) {add = true}
        %dma_wait3A_94 = tpu.memref_slice %arg13[%mul3A_76] : memref<5184xi32, #tpu.memory_space<vmem>> -> memref<96xi32, #tpu.memory_space<vmem>>
        %dma_wait3A_95 = arith.constant 0 : i32
        %dma_wait3A_96 = arith.constant 0 : i32
        %dma_wait3A_97 = tpu.memref_slice %arg11[%dma_wait3A_95, %dma_wait3A_96] : memref<10240x16xf32, #tpu.memory_space<vmem_shared>> -> memref<10240x16xf32, #tpu.memory_space<vmem_shared>>
        tpu.wait_indirect_dma semaphore(%run_scoped3A_89 : memref<!tpu.dma_semaphore, #tpu.memory_space<semaphore_mem>>) src(%arg16 : memref<96x16xf32, #tpu.memory_space<vmem>>) dst(%dma_wait3A_97 : memref<10240x16xf32, #tpu.memory_space<vmem_shared>>)
        tpu.yield
      }) : () -> ()
      %lt3A = arith.constant 26 : i32
      %lt3A_77 = arith.cmpi slt, %scan3A_59, %lt3A : i32
      %convert_element_type3A = arith.extui %lt3A_77 : i1 to i32
      %cond3A = arith.constant 0 : i32
      %cond3A_78 = arith.cmpi ne, %convert_element_type3A, %cond3A : i32
      scf.if %cond3A_78 {
        %add3A_89 = arith.constant 2 : i32
        %add3A_90 = arith.addi %mul3A_61, %add3A_89 : i32
        %mul3A_91 = arith.constant 96 : i32
        %mul3A_92 = arith.muli %add3A_90, %mul3A_91 : i32
        %dma_start3A_93 = tpu.memref_slice %arg12[%mul3A_92] : memref<5184xi32, #tpu.memory_space<vmem>> -> memref<96xi32, #tpu.memory_space<vmem>>
        %dma_start3A_94 = arith.constant 0 : i32
        %dma_start3A_95 = arith.constant 0 : i32
        %dma_start3A_96 = tpu.memref_slice %arg2[%dma_start3A_94, %dma_start3A_95] : memref<10000x128xbf16, #tpu.memory_space<hbm>> -> memref<10000x128xbf16, #tpu.memory_space<hbm>>
        tpu.enqueue_indirect_dma source(%dma_start3A_96 : memref<10000x128xbf16, #tpu.memory_space<hbm>>) target(%arg14 : memref<96x128xbf16, #tpu.memory_space<vmem>>) offsets(%dma_start3A_93 : memref<96xi32, #tpu.memory_space<vmem>>) semaphore(%arg17 : memref<!tpu.dma_semaphore, #tpu.memory_space<semaphore_mem>>)
      } else {
      }
      %dma_wait3A_79 = arith.constant 0 : i32
      %dma_wait3A_80 = arith.constant 0 : i32
      %dma_wait3A_81 = tpu.memref_slice %arg2[%dma_wait3A_79, %dma_wait3A_80] : memref<10000x128xbf16, #tpu.memory_space<hbm>> -> memref<96x128xbf16, #tpu.memory_space<hbm>>
      %dma_wait3A_82 = arith.constant 0 : i32
      %dma_wait3A_83 = arith.constant 0 : i32
      %dma_wait3A_84 = tpu.memref_slice %arg2[%dma_wait3A_82, %dma_wait3A_83] : memref<10000x128xbf16, #tpu.memory_space<hbm>> -> memref<96x128xbf16, #tpu.memory_space<hbm>>
      tpu.wait_dma2 semaphore(%arg18 : memref<!tpu.dma_semaphore, #tpu.memory_space<semaphore_mem>>) src(%dma_wait3A_84 : memref<96x128xbf16, #tpu.memory_space<hbm>>) dst(%arg15 : memref<96x128xbf16, #tpu.memory_space<vmem>>)
      %add3A_85 = arith.constant 1 : i32
      %add3A_86 = arith.addi %mul3A_61, %add3A_85 : i32
      %mul3A_87 = arith.constant 96 : i32
      %mul3A_88 = arith.muli %add3A_86, %mul3A_87 : i32
      "tpu.region"() ({
        %run_scoped3A_89 = tpu.sem_alloc : memref<!tpu.dma_semaphore, #tpu.memory_space<semaphore_mem>>
        %dma_start3A_90 = tpu.memref_slice %arg13[%mul3A_88] : memref<5184xi32, #tpu.memory_space<vmem>> -> memref<96xi32, #tpu.memory_space<vmem>>
        %dma_start3A_91 = arith.constant 0 : i32
        %dma_start3A_92 = arith.constant 0 : i32
        %dma_start3A_93 = tpu.memref_slice %arg10[%dma_start3A_91, %dma_start3A_92] : memref<10240x128xbf16, #tpu.memory_space<vmem_shared>> -> memref<10240x128xbf16, #tpu.memory_space<vmem_shared>>
        tpu.enqueue_indirect_dma source(%arg15 : memref<96x128xbf16, #tpu.memory_space<vmem>>) target(%dma_start3A_93 : memref<10240x128xbf16, #tpu.memory_space<vmem_shared>>) offsets(%dma_start3A_90 : memref<96xi32, #tpu.memory_space<vmem>>) semaphore(%run_scoped3A_89 : memref<!tpu.dma_semaphore, #tpu.memory_space<semaphore_mem>>) {add = true}
        %dma_wait3A_94 = tpu.memref_slice %arg13[%mul3A_88] : memref<5184xi32, #tpu.memory_space<vmem>> -> memref<96xi32, #tpu.memory_space<vmem>>
        %dma_wait3A_95 = arith.constant 0 : i32
        %dma_wait3A_96 = arith.constant 0 : i32
        %dma_wait3A_97 = tpu.memref_slice %arg10[%dma_wait3A_95, %dma_wait3A_96] : memref<10240x128xbf16, #tpu.memory_space<vmem_shared>> -> memref<10240x128xbf16, #tpu.memory_space<vmem_shared>>
        tpu.wait_indirect_dma semaphore(%run_scoped3A_89 : memref<!tpu.dma_semaphore, #tpu.memory_space<semaphore_mem>>) src(%arg15 : memref<96x128xbf16, #tpu.memory_space<vmem>>) dst(%dma_wait3A_97 : memref<10240x128xbf16, #tpu.memory_space<vmem_shared>>)
        tpu.yield
      }) : () -> ()
      "tpu.region"() ({
        %run_scoped3A_89 = tpu.sem_alloc : memref<!tpu.dma_semaphore, #tpu.memory_space<semaphore_mem>>
        %dma_start3A_90 = tpu.memref_slice %arg13[%mul3A_88] : memref<5184xi32, #tpu.memory_space<vmem>> -> memref<96xi32, #tpu.memory_space<vmem>>
        %dma_start3A_91 = arith.constant 0 : i32
        %dma_start3A_92 = arith.constant 0 : i32
        %dma_start3A_93 = tpu.memref_slice %arg11[%dma_start3A_91, %dma_start3A_92] : memref<10240x16xf32, #tpu.memory_space<vmem_shared>> -> memref<10240x16xf32, #tpu.memory_space<vmem_shared>>
        tpu.enqueue_indirect_dma source(%arg16 : memref<96x16xf32, #tpu.memory_space<vmem>>) target(%dma_start3A_93 : memref<10240x16xf32, #tpu.memory_space<vmem_shared>>) offsets(%dma_start3A_90 : memref<96xi32, #tpu.memory_space<vmem>>) semaphore(%run_scoped3A_89 : memref<!tpu.dma_semaphore, #tpu.memory_space<semaphore_mem>>) {add = true}
        %dma_wait3A_94 = tpu.memref_slice %arg13[%mul3A_88] : memref<5184xi32, #tpu.memory_space<vmem>> -> memref<96xi32, #tpu.memory_space<vmem>>
        %dma_wait3A_95 = arith.constant 0 : i32
        %dma_wait3A_96 = arith.constant 0 : i32
        %dma_wait3A_97 = tpu.memref_slice %arg11[%dma_wait3A_95, %dma_wait3A_96] : memref<10240x16xf32, #tpu.memory_space<vmem_shared>> -> memref<10240x16xf32, #tpu.memory_space<vmem_shared>>
        tpu.wait_indirect_dma semaphore(%run_scoped3A_89 : memref<!tpu.dma_semaphore, #tpu.memory_space<semaphore_mem>>) src(%arg16 : memref<96x16xf32, #tpu.memory_space<vmem>>) dst(%dma_wait3A_97 : memref<10240x16xf32, #tpu.memory_space<vmem_shared>>)
        tpu.yield
      }) : () -> ()
    }
    %scan3A_15 = arith.constant 27 : i32
    %barrier3A_16 = arith.constant 0 : index
    tpu.barrier barrier_id(%barrier3A_16)
    %run_scoped3A = arith.constant 0 : i32
    "tpu.region"() ({
      %run_scoped3A_59 = tpu.sem_alloc : memref<!tpu.dma_semaphore, #tpu.memory_space<semaphore_mem>>
      %dma_start3A_60 = arith.constant 0 : i32
      %dma_start3A_61 = tpu.memref_slice %arg8[%run_scoped3A, %arg0, %mul3A_2, %dma_start3A_60] : memref<3x2x10240x128xbf16, #tpu.memory_space<hbm>> -> memref<1x1x640x128xbf16, #tpu.memory_space<hbm>>
      %dma_start3A_62 = tpu.memref_squeeze %dma_start3A_61 : memref<1x1x640x128xbf16, #tpu.memory_space<hbm>> -> memref<640x128xbf16, #tpu.memory_space<hbm>>
      %dma_start3A_63 = arith.constant 0 : i32
      %dma_start3A_64 = tpu.memref_slice %arg10[%mul3A_2, %dma_start3A_63] : memref<10240x128xbf16, #tpu.memory_space<vmem_shared>> -> memref<640x128xbf16, #tpu.memory_space<vmem_shared>>
      tpu.enqueue_dma source(%dma_start3A_64 : memref<640x128xbf16, #tpu.memory_space<vmem_shared>>) target(%dma_start3A_62 : memref<640x128xbf16, #tpu.memory_space<hbm>>) target_semaphore(%run_scoped3A_59 : memref<!tpu.dma_semaphore, #tpu.memory_space<semaphore_mem>>)
      %dma_wait3A = arith.constant 0 : i32
      %dma_wait3A_65 = tpu.memref_slice %arg8[%run_scoped3A, %arg0, %mul3A_2, %dma_wait3A] : memref<3x2x10240x128xbf16, #tpu.memory_space<hbm>> -> memref<1x1x640x128xbf16, #tpu.memory_space<hbm>>
      %dma_wait3A_66 = tpu.memref_squeeze %dma_wait3A_65 : memref<1x1x640x128xbf16, #tpu.memory_space<hbm>> -> memref<640x128xbf16, #tpu.memory_space<hbm>>
      %dma_wait3A_67 = arith.constant 0 : i32
      %dma_wait3A_68 = tpu.memref_slice %arg10[%mul3A_2, %dma_wait3A_67] : memref<10240x128xbf16, #tpu.memory_space<vmem_shared>> -> memref<640x128xbf16, #tpu.memory_space<vmem_shared>>
      tpu.wait_dma2 semaphore(%run_scoped3A_59 : memref<!tpu.dma_semaphore, #tpu.memory_space<semaphore_mem>>) src(%dma_wait3A_68 : memref<640x128xbf16, #tpu.memory_space<vmem_shared>>) dst(%dma_wait3A_66 : memref<640x128xbf16, #tpu.memory_space<hbm>>)
      tpu.yield
    }) : () -> ()
    %run_scoped3A_17 = arith.constant 0 : i32
    "tpu.region"() ({
      %run_scoped3A_59 = tpu.sem_alloc : memref<!tpu.dma_semaphore, #tpu.memory_space<semaphore_mem>>
      %dma_start3A_60 = arith.constant 0 : i32
      %dma_start3A_61 = tpu.memref_slice %arg9[%run_scoped3A_17, %arg0, %mul3A_2, %dma_start3A_60] : memref<3x2x10240x16xf32, #tpu.memory_space<hbm>> -> memref<1x1x640x16xf32, #tpu.memory_space<hbm>>
      %dma_start3A_62 = tpu.memref_squeeze %dma_start3A_61 : memref<1x1x640x16xf32, #tpu.memory_space<hbm>> -> memref<640x16xf32, #tpu.memory_space<hbm>>
      %dma_start3A_63 = arith.constant 0 : i32
      %dma_start3A_64 = tpu.memref_slice %arg11[%mul3A_2, %dma_start3A_63] : memref<10240x16xf32, #tpu.memory_space<vmem_shared>> -> memref<640x16xf32, #tpu.memory_space<vmem_shared>>
      tpu.enqueue_dma source(%dma_start3A_64 : memref<640x16xf32, #tpu.memory_space<vmem_shared>>) target(%dma_start3A_62 : memref<640x16xf32, #tpu.memory_space<hbm>>) target_semaphore(%run_scoped3A_59 : memref<!tpu.dma_semaphore, #tpu.memory_space<semaphore_mem>>)
      %dma_wait3A = arith.constant 0 : i32
      %dma_wait3A_65 = tpu.memref_slice %arg9[%run_scoped3A_17, %arg0, %mul3A_2, %dma_wait3A] : memref<3x2x10240x16xf32, #tpu.memory_space<hbm>> -> memref<1x1x640x16xf32, #tpu.memory_space<hbm>>
      %dma_wait3A_66 = tpu.memref_squeeze %dma_wait3A_65 : memref<1x1x640x16xf32, #tpu.memory_space<hbm>> -> memref<640x16xf32, #tpu.memory_space<hbm>>
      %dma_wait3A_67 = arith.constant 0 : i32
      %dma_wait3A_68 = tpu.memref_slice %arg11[%mul3A_2, %dma_wait3A_67] : memref<10240x16xf32, #tpu.memory_space<vmem_shared>> -> memref<640x16xf32, #tpu.memory_space<vmem_shared>>
      tpu.wait_dma2 semaphore(%run_scoped3A_59 : memref<!tpu.dma_semaphore, #tpu.memory_space<semaphore_mem>>) src(%dma_wait3A_68 : memref<640x16xf32, #tpu.memory_space<vmem_shared>>) dst(%dma_wait3A_66 : memref<640x16xf32, #tpu.memory_space<hbm>>)
      tpu.yield
    }) : () -> ()
    %barrier3A_18 = arith.constant 0 : index
    tpu.barrier barrier_id(%barrier3A_18)
    %add3A_19 = arith.constant 32 : i32
    %add3A_20 = arith.addi %add3A_19, %add3A : i32
    %mul3A_21 = arith.constant 5184 : i32
    %mul3A_22 = arith.muli %add3A_20, %mul3A_21 : i32
    "tpu.region"() ({
      %run_scoped3A_59 = tpu.sem_alloc : memref<!tpu.dma_semaphore, #tpu.memory_space<semaphore_mem>>
      %dma_start3A_60 = tpu.memref_slice %arg3[%mul3A_22] : memref<497664xi32, #tpu.memory_space<hbm>> -> memref<5184xi32, #tpu.memory_space<hbm>>
      %dma_start3A_61 = tpu.memref_slice %arg3[%mul3A_22] : memref<497664xi32, #tpu.memory_space<hbm>> -> memref<5184xi32, #tpu.memory_space<hbm>>
      tpu.enqueue_dma source(%dma_start3A_61 : memref<5184xi32, #tpu.memory_space<hbm>>) target(%arg12 : memref<5184xi32, #tpu.memory_space<vmem>>) target_semaphore(%run_scoped3A_59 : memref<!tpu.dma_semaphore, #tpu.memory_space<semaphore_mem>>)
      %dma_wait3A = tpu.memref_slice %arg3[%mul3A_22] : memref<497664xi32, #tpu.memory_space<hbm>> -> memref<5184xi32, #tpu.memory_space<hbm>>
      %dma_wait3A_62 = tpu.memref_slice %arg3[%mul3A_22] : memref<497664xi32, #tpu.memory_space<hbm>> -> memref<5184xi32, #tpu.memory_space<hbm>>
      tpu.wait_dma2 semaphore(%run_scoped3A_59 : memref<!tpu.dma_semaphore, #tpu.memory_space<semaphore_mem>>) src(%dma_wait3A_62 : memref<5184xi32, #tpu.memory_space<hbm>>) dst(%arg12 : memref<5184xi32, #tpu.memory_space<vmem>>)
      tpu.yield
    }) : () -> ()
    "tpu.region"() ({
      %run_scoped3A_59 = tpu.sem_alloc : memref<!tpu.dma_semaphore, #tpu.memory_space<semaphore_mem>>
      %dma_start3A_60 = tpu.memref_slice %arg4[%mul3A_22] : memref<497664xi32, #tpu.memory_space<hbm>> -> memref<5184xi32, #tpu.memory_space<hbm>>
      %dma_start3A_61 = tpu.memref_slice %arg4[%mul3A_22] : memref<497664xi32, #tpu.memory_space<hbm>> -> memref<5184xi32, #tpu.memory_space<hbm>>
      tpu.enqueue_dma source(%dma_start3A_61 : memref<5184xi32, #tpu.memory_space<hbm>>) target(%arg13 : memref<5184xi32, #tpu.memory_space<vmem>>) target_semaphore(%run_scoped3A_59 : memref<!tpu.dma_semaphore, #tpu.memory_space<semaphore_mem>>)
      %dma_wait3A = tpu.memref_slice %arg4[%mul3A_22] : memref<497664xi32, #tpu.memory_space<hbm>> -> memref<5184xi32, #tpu.memory_space<hbm>>
      %dma_wait3A_62 = tpu.memref_slice %arg4[%mul3A_22] : memref<497664xi32, #tpu.memory_space<hbm>> -> memref<5184xi32, #tpu.memory_space<hbm>>
      tpu.wait_dma2 semaphore(%run_scoped3A_59 : memref<!tpu.dma_semaphore, #tpu.memory_space<semaphore_mem>>) src(%dma_wait3A_62 : memref<5184xi32, #tpu.memory_space<hbm>>) dst(%arg13 : memref<5184xi32, #tpu.memory_space<vmem>>)
      tpu.yield
    }) : () -> ()
    %barrier3A_23 = arith.constant 0 : index
    tpu.barrier barrier_id(%barrier3A_23)
    %dma_start3A_24 = arith.constant 0 : i32
    %dma_start3A_25 = tpu.memref_slice %arg12[%dma_start3A_24] : memref<5184xi32, #tpu.memory_space<vmem>> -> memref<96xi32, #tpu.memory_space<vmem>>
    %dma_start3A_26 = arith.constant 0 : i32
    %dma_start3A_27 = arith.constant 0 : i32
    %dma_start3A_28 = tpu.memref_slice %arg2[%dma_start3A_26, %dma_start3A_27] : memref<10000x128xbf16, #tpu.memory_space<hbm>> -> memref<10000x128xbf16, #tpu.memory_space<hbm>>
    tpu.enqueue_indirect_dma source(%dma_start3A_28 : memref<10000x128xbf16, #tpu.memory_space<hbm>>) target(%arg14 : memref<96x128xbf16, #tpu.memory_space<vmem>>) offsets(%dma_start3A_25 : memref<96xi32, #tpu.memory_space<vmem>>) semaphore(%arg17 : memref<!tpu.dma_semaphore, #tpu.memory_space<semaphore_mem>>)
    %scan3A_29 = arith.constant 0 : i32
    %scan3A_30 = arith.constant 0 : i32
    %scan3A_31 = arith.constant 27 : i32
    %scan3A_32 = arith.addi %scan3A_30, %scan3A_31 : i32
    %scan3A_33 = arith.constant 1 : i32
    scf.for %scan3A_59 = %scan3A_30 to %scan3A_32 step %scan3A_33  : i32 {
      %mul3A_60 = arith.constant 2 : i32
      %mul3A_61 = arith.muli %mul3A_60, %scan3A_59 : i32
      %add3A_62 = arith.constant 1 : i32
      %add3A_63 = arith.addi %mul3A_61, %add3A_62 : i32
      %mul3A_64 = arith.constant 96 : i32
      %mul3A_65 = arith.muli %add3A_63, %mul3A_64 : i32
      %dma_start3A_66 = tpu.memref_slice %arg12[%mul3A_65] : memref<5184xi32, #tpu.memory_space<vmem>> -> memref<96xi32, #tpu.memory_space<vmem>>
      %dma_start3A_67 = arith.constant 0 : i32
      %dma_start3A_68 = arith.constant 0 : i32
      %dma_start3A_69 = tpu.memref_slice %arg2[%dma_start3A_67, %dma_start3A_68] : memref<10000x128xbf16, #tpu.memory_space<hbm>> -> memref<10000x128xbf16, #tpu.memory_space<hbm>>
      tpu.enqueue_indirect_dma source(%dma_start3A_69 : memref<10000x128xbf16, #tpu.memory_space<hbm>>) target(%arg15 : memref<96x128xbf16, #tpu.memory_space<vmem>>) offsets(%dma_start3A_66 : memref<96xi32, #tpu.memory_space<vmem>>) semaphore(%arg18 : memref<!tpu.dma_semaphore, #tpu.memory_space<semaphore_mem>>)
      %dma_wait3A = arith.constant 0 : i32
      %dma_wait3A_70 = arith.constant 0 : i32
      %dma_wait3A_71 = tpu.memref_slice %arg2[%dma_wait3A, %dma_wait3A_70] : memref<10000x128xbf16, #tpu.memory_space<hbm>> -> memref<96x128xbf16, #tpu.memory_space<hbm>>
      %dma_wait3A_72 = arith.constant 0 : i32
      %dma_wait3A_73 = arith.constant 0 : i32
      %dma_wait3A_74 = tpu.memref_slice %arg2[%dma_wait3A_72, %dma_wait3A_73] : memref<10000x128xbf16, #tpu.memory_space<hbm>> -> memref<96x128xbf16, #tpu.memory_space<hbm>>
      tpu.wait_dma2 semaphore(%arg17 : memref<!tpu.dma_semaphore, #tpu.memory_space<semaphore_mem>>) src(%dma_wait3A_74 : memref<96x128xbf16, #tpu.memory_space<hbm>>) dst(%arg14 : memref<96x128xbf16, #tpu.memory_space<vmem>>)
      %mul3A_75 = arith.constant 96 : i32
      %mul3A_76 = arith.muli %mul3A_61, %mul3A_75 : i32
      "tpu.region"() ({
        %run_scoped3A_89 = tpu.sem_alloc : memref<!tpu.dma_semaphore, #tpu.memory_space<semaphore_mem>>
        %dma_start3A_90 = tpu.memref_slice %arg13[%mul3A_76] : memref<5184xi32, #tpu.memory_space<vmem>> -> memref<96xi32, #tpu.memory_space<vmem>>
        %dma_start3A_91 = arith.constant 0 : i32
        %dma_start3A_92 = arith.constant 0 : i32
        %dma_start3A_93 = tpu.memref_slice %arg10[%dma_start3A_91, %dma_start3A_92] : memref<10240x128xbf16, #tpu.memory_space<vmem_shared>> -> memref<10240x128xbf16, #tpu.memory_space<vmem_shared>>
        tpu.enqueue_indirect_dma source(%arg14 : memref<96x128xbf16, #tpu.memory_space<vmem>>) target(%dma_start3A_93 : memref<10240x128xbf16, #tpu.memory_space<vmem_shared>>) offsets(%dma_start3A_90 : memref<96xi32, #tpu.memory_space<vmem>>) semaphore(%run_scoped3A_89 : memref<!tpu.dma_semaphore, #tpu.memory_space<semaphore_mem>>) {add = true}
        %dma_wait3A_94 = tpu.memref_slice %arg13[%mul3A_76] : memref<5184xi32, #tpu.memory_space<vmem>> -> memref<96xi32, #tpu.memory_space<vmem>>
        %dma_wait3A_95 = arith.constant 0 : i32
        %dma_wait3A_96 = arith.constant 0 : i32
        %dma_wait3A_97 = tpu.memref_slice %arg10[%dma_wait3A_95, %dma_wait3A_96] : memref<10240x128xbf16, #tpu.memory_space<vmem_shared>> -> memref<10240x128xbf16, #tpu.memory_space<vmem_shared>>
        tpu.wait_indirect_dma semaphore(%run_scoped3A_89 : memref<!tpu.dma_semaphore, #tpu.memory_space<semaphore_mem>>) src(%arg14 : memref<96x128xbf16, #tpu.memory_space<vmem>>) dst(%dma_wait3A_97 : memref<10240x128xbf16, #tpu.memory_space<vmem_shared>>)
        tpu.yield
      }) : () -> ()
      "tpu.region"() ({
        %run_scoped3A_89 = tpu.sem_alloc : memref<!tpu.dma_semaphore, #tpu.memory_space<semaphore_mem>>
        %dma_start3A_90 = tpu.memref_slice %arg13[%mul3A_76] : memref<5184xi32, #tpu.memory_space<vmem>> -> memref<96xi32, #tpu.memory_space<vmem>>
        %dma_start3A_91 = arith.constant 0 : i32
        %dma_start3A_92 = arith.constant 0 : i32
        %dma_start3A_93 = tpu.memref_slice %arg11[%dma_start3A_91, %dma_start3A_92] : memref<10240x16xf32, #tpu.memory_space<vmem_shared>> -> memref<10240x16xf32, #tpu.memory_space<vmem_shared>>
        tpu.enqueue_indirect_dma source(%arg16 : memref<96x16xf32, #tpu.memory_space<vmem>>) target(%dma_start3A_93 : memref<10240x16xf32, #tpu.memory_space<vmem_shared>>) offsets(%dma_start3A_90 : memref<96xi32, #tpu.memory_space<vmem>>) semaphore(%run_scoped3A_89 : memref<!tpu.dma_semaphore, #tpu.memory_space<semaphore_mem>>) {add = true}
        %dma_wait3A_94 = tpu.memref_slice %arg13[%mul3A_76] : memref<5184xi32, #tpu.memory_space<vmem>> -> memref<96xi32, #tpu.memory_space<vmem>>
        %dma_wait3A_95 = arith.constant 0 : i32
        %dma_wait3A_96 = arith.constant 0 : i32
        %dma_wait3A_97 = tpu.memref_slice %arg11[%dma_wait3A_95, %dma_wait3A_96] : memref<10240x16xf32, #tpu.memory_space<vmem_shared>> -> memref<10240x16xf32, #tpu.memory_space<vmem_shared>>
        tpu.wait_indirect_dma semaphore(%run_scoped3A_89 : memref<!tpu.dma_semaphore, #tpu.memory_space<semaphore_mem>>) src(%arg16 : memref<96x16xf32, #tpu.memory_space<vmem>>) dst(%dma_wait3A_97 : memref<10240x16xf32, #tpu.memory_space<vmem_shared>>)
        tpu.yield
      }) : () -> ()
      %lt3A = arith.constant 26 : i32
      %lt3A_77 = arith.cmpi slt, %scan3A_59, %lt3A : i32
      %convert_element_type3A = arith.extui %lt3A_77 : i1 to i32
      %cond3A = arith.constant 0 : i32
      %cond3A_78 = arith.cmpi ne, %convert_element_type3A, %cond3A : i32
      scf.if %cond3A_78 {
        %add3A_89 = arith.constant 2 : i32
        %add3A_90 = arith.addi %mul3A_61, %add3A_89 : i32
        %mul3A_91 = arith.constant 96 : i32
        %mul3A_92 = arith.muli %add3A_90, %mul3A_91 : i32
        %dma_start3A_93 = tpu.memref_slice %arg12[%mul3A_92] : memref<5184xi32, #tpu.memory_space<vmem>> -> memref<96xi32, #tpu.memory_space<vmem>>
        %dma_start3A_94 = arith.constant 0 : i32
        %dma_start3A_95 = arith.constant 0 : i32
        %dma_start3A_96 = tpu.memref_slice %arg2[%dma_start3A_94, %dma_start3A_95] : memref<10000x128xbf16, #tpu.memory_space<hbm>> -> memref<10000x128xbf16, #tpu.memory_space<hbm>>
        tpu.enqueue_indirect_dma source(%dma_start3A_96 : memref<10000x128xbf16, #tpu.memory_space<hbm>>) target(%arg14 : memref<96x128xbf16, #tpu.memory_space<vmem>>) offsets(%dma_start3A_93 : memref<96xi32, #tpu.memory_space<vmem>>) semaphore(%arg17 : memref<!tpu.dma_semaphore, #tpu.memory_space<semaphore_mem>>)
      } else {
      }
      %dma_wait3A_79 = arith.constant 0 : i32
      %dma_wait3A_80 = arith.constant 0 : i32
      %dma_wait3A_81 = tpu.memref_slice %arg2[%dma_wait3A_79, %dma_wait3A_80] : memref<10000x128xbf16, #tpu.memory_space<hbm>> -> memref<96x128xbf16, #tpu.memory_space<hbm>>
      %dma_wait3A_82 = arith.constant 0 : i32
      %dma_wait3A_83 = arith.constant 0 : i32
      %dma_wait3A_84 = tpu.memref_slice %arg2[%dma_wait3A_82, %dma_wait3A_83] : memref<10000x128xbf16, #tpu.memory_space<hbm>> -> memref<96x128xbf16, #tpu.memory_space<hbm>>
      tpu.wait_dma2 semaphore(%arg18 : memref<!tpu.dma_semaphore, #tpu.memory_space<semaphore_mem>>) src(%dma_wait3A_84 : memref<96x128xbf16, #tpu.memory_space<hbm>>) dst(%arg15 : memref<96x128xbf16, #tpu.memory_space<vmem>>)
      %add3A_85 = arith.constant 1 : i32
      %add3A_86 = arith.addi %mul3A_61, %add3A_85 : i32
      %mul3A_87 = arith.constant 96 : i32
      %mul3A_88 = arith.muli %add3A_86, %mul3A_87 : i32
      "tpu.region"() ({
        %run_scoped3A_89 = tpu.sem_alloc : memref<!tpu.dma_semaphore, #tpu.memory_space<semaphore_mem>>
        %dma_start3A_90 = tpu.memref_slice %arg13[%mul3A_88] : memref<5184xi32, #tpu.memory_space<vmem>> -> memref<96xi32, #tpu.memory_space<vmem>>
        %dma_start3A_91 = arith.constant 0 : i32
        %dma_start3A_92 = arith.constant 0 : i32
        %dma_start3A_93 = tpu.memref_slice %arg10[%dma_start3A_91, %dma_start3A_92] : memref<10240x128xbf16, #tpu.memory_space<vmem_shared>> -> memref<10240x128xbf16, #tpu.memory_space<vmem_shared>>
        tpu.enqueue_indirect_dma source(%arg15 : memref<96x128xbf16, #tpu.memory_space<vmem>>) target(%dma_start3A_93 : memref<10240x128xbf16, #tpu.memory_space<vmem_shared>>) offsets(%dma_start3A_90 : memref<96xi32, #tpu.memory_space<vmem>>) semaphore(%run_scoped3A_89 : memref<!tpu.dma_semaphore, #tpu.memory_space<semaphore_mem>>) {add = true}
        %dma_wait3A_94 = tpu.memref_slice %arg13[%mul3A_88] : memref<5184xi32, #tpu.memory_space<vmem>> -> memref<96xi32, #tpu.memory_space<vmem>>
        %dma_wait3A_95 = arith.constant 0 : i32
        %dma_wait3A_96 = arith.constant 0 : i32
        %dma_wait3A_97 = tpu.memref_slice %arg10[%dma_wait3A_95, %dma_wait3A_96] : memref<10240x128xbf16, #tpu.memory_space<vmem_shared>> -> memref<10240x128xbf16, #tpu.memory_space<vmem_shared>>
        tpu.wait_indirect_dma semaphore(%run_scoped3A_89 : memref<!tpu.dma_semaphore, #tpu.memory_space<semaphore_mem>>) src(%arg15 : memref<96x128xbf16, #tpu.memory_space<vmem>>) dst(%dma_wait3A_97 : memref<10240x128xbf16, #tpu.memory_space<vmem_shared>>)
        tpu.yield
      }) : () -> ()
      "tpu.region"() ({
        %run_scoped3A_89 = tpu.sem_alloc : memref<!tpu.dma_semaphore, #tpu.memory_space<semaphore_mem>>
        %dma_start3A_90 = tpu.memref_slice %arg13[%mul3A_88] : memref<5184xi32, #tpu.memory_space<vmem>> -> memref<96xi32, #tpu.memory_space<vmem>>
        %dma_start3A_91 = arith.constant 0 : i32
        %dma_start3A_92 = arith.constant 0 : i32
        %dma_start3A_93 = tpu.memref_slice %arg11[%dma_start3A_91, %dma_start3A_92] : memref<10240x16xf32, #tpu.memory_space<vmem_shared>> -> memref<10240x16xf32, #tpu.memory_space<vmem_shared>>
        tpu.enqueue_indirect_dma source(%arg16 : memref<96x16xf32, #tpu.memory_space<vmem>>) target(%dma_start3A_93 : memref<10240x16xf32, #tpu.memory_space<vmem_shared>>) offsets(%dma_start3A_90 : memref<96xi32, #tpu.memory_space<vmem>>) semaphore(%run_scoped3A_89 : memref<!tpu.dma_semaphore, #tpu.memory_space<semaphore_mem>>) {add = true}
        %dma_wait3A_94 = tpu.memref_slice %arg13[%mul3A_88] : memref<5184xi32, #tpu.memory_space<vmem>> -> memref<96xi32, #tpu.memory_space<vmem>>
        %dma_wait3A_95 = arith.constant 0 : i32
        %dma_wait3A_96 = arith.constant 0 : i32
        %dma_wait3A_97 = tpu.memref_slice %arg11[%dma_wait3A_95, %dma_wait3A_96] : memref<10240x16xf32, #tpu.memory_space<vmem_shared>> -> memref<10240x16xf32, #tpu.memory_space<vmem_shared>>
        tpu.wait_indirect_dma semaphore(%run_scoped3A_89 : memref<!tpu.dma_semaphore, #tpu.memory_space<semaphore_mem>>) src(%arg16 : memref<96x16xf32, #tpu.memory_space<vmem>>) dst(%dma_wait3A_97 : memref<10240x16xf32, #tpu.memory_space<vmem_shared>>)
        tpu.yield
      }) : () -> ()
    }
    %scan3A_34 = arith.constant 27 : i32
    %barrier3A_35 = arith.constant 0 : index
    tpu.barrier barrier_id(%barrier3A_35)
    %run_scoped3A_36 = arith.constant 1 : i32
    "tpu.region"() ({
      %run_scoped3A_59 = tpu.sem_alloc : memref<!tpu.dma_semaphore, #tpu.memory_space<semaphore_mem>>
      %dma_start3A_60 = arith.constant 0 : i32
      %dma_start3A_61 = tpu.memref_slice %arg8[%run_scoped3A_36, %arg0, %mul3A_2, %dma_start3A_60] : memref<3x2x10240x128xbf16, #tpu.memory_space<hbm>> -> memref<1x1x640x128xbf16, #tpu.memory_space<hbm>>
      %dma_start3A_62 = tpu.memref_squeeze %dma_start3A_61 : memref<1x1x640x128xbf16, #tpu.memory_space<hbm>> -> memref<640x128xbf16, #tpu.memory_space<hbm>>
      %dma_start3A_63 = arith.constant 0 : i32
      %dma_start3A_64 = tpu.memref_slice %arg10[%mul3A_2, %dma_start3A_63] : memref<10240x128xbf16, #tpu.memory_space<vmem_shared>> -> memref<640x128xbf16, #tpu.memory_space<vmem_shared>>
      tpu.enqueue_dma source(%dma_start3A_64 : memref<640x128xbf16, #tpu.memory_space<vmem_shared>>) target(%dma_start3A_62 : memref<640x128xbf16, #tpu.memory_space<hbm>>) target_semaphore(%run_scoped3A_59 : memref<!tpu.dma_semaphore, #tpu.memory_space<semaphore_mem>>)
      %dma_wait3A = arith.constant 0 : i32
      %dma_wait3A_65 = tpu.memref_slice %arg8[%run_scoped3A_36, %arg0, %mul3A_2, %dma_wait3A] : memref<3x2x10240x128xbf16, #tpu.memory_space<hbm>> -> memref<1x1x640x128xbf16, #tpu.memory_space<hbm>>
      %dma_wait3A_66 = tpu.memref_squeeze %dma_wait3A_65 : memref<1x1x640x128xbf16, #tpu.memory_space<hbm>> -> memref<640x128xbf16, #tpu.memory_space<hbm>>
      %dma_wait3A_67 = arith.constant 0 : i32
      %dma_wait3A_68 = tpu.memref_slice %arg10[%mul3A_2, %dma_wait3A_67] : memref<10240x128xbf16, #tpu.memory_space<vmem_shared>> -> memref<640x128xbf16, #tpu.memory_space<vmem_shared>>
      tpu.wait_dma2 semaphore(%run_scoped3A_59 : memref<!tpu.dma_semaphore, #tpu.memory_space<semaphore_mem>>) src(%dma_wait3A_68 : memref<640x128xbf16, #tpu.memory_space<vmem_shared>>) dst(%dma_wait3A_66 : memref<640x128xbf16, #tpu.memory_space<hbm>>)
      tpu.yield
    }) : () -> ()
    %run_scoped3A_37 = arith.constant 1 : i32
    "tpu.region"() ({
      %run_scoped3A_59 = tpu.sem_alloc : memref<!tpu.dma_semaphore, #tpu.memory_space<semaphore_mem>>
      %dma_start3A_60 = arith.constant 0 : i32
      %dma_start3A_61 = tpu.memref_slice %arg9[%run_scoped3A_37, %arg0, %mul3A_2, %dma_start3A_60] : memref<3x2x10240x16xf32, #tpu.memory_space<hbm>> -> memref<1x1x640x16xf32, #tpu.memory_space<hbm>>
      %dma_start3A_62 = tpu.memref_squeeze %dma_start3A_61 : memref<1x1x640x16xf32, #tpu.memory_space<hbm>> -> memref<640x16xf32, #tpu.memory_space<hbm>>
      %dma_start3A_63 = arith.constant 0 : i32
      %dma_start3A_64 = tpu.memref_slice %arg11[%mul3A_2, %dma_start3A_63] : memref<10240x16xf32, #tpu.memory_space<vmem_shared>> -> memref<640x16xf32, #tpu.memory_space<vmem_shared>>
      tpu.enqueue_dma source(%dma_start3A_64 : memref<640x16xf32, #tpu.memory_space<vmem_shared>>) target(%dma_start3A_62 : memref<640x16xf32, #tpu.memory_space<hbm>>) target_semaphore(%run_scoped3A_59 : memref<!tpu.dma_semaphore, #tpu.memory_space<semaphore_mem>>)
      %dma_wait3A = arith.constant 0 : i32
      %dma_wait3A_65 = tpu.memref_slice %arg9[%run_scoped3A_37, %arg0, %mul3A_2, %dma_wait3A] : memref<3x2x10240x16xf32, #tpu.memory_space<hbm>> -> memref<1x1x640x16xf32, #tpu.memory_space<hbm>>
      %dma_wait3A_66 = tpu.memref_squeeze %dma_wait3A_65 : memref<1x1x640x16xf32, #tpu.memory_space<hbm>> -> memref<640x16xf32, #tpu.memory_space<hbm>>
      %dma_wait3A_67 = arith.constant 0 : i32
      %dma_wait3A_68 = tpu.memref_slice %arg11[%mul3A_2, %dma_wait3A_67] : memref<10240x16xf32, #tpu.memory_space<vmem_shared>> -> memref<640x16xf32, #tpu.memory_space<vmem_shared>>
      tpu.wait_dma2 semaphore(%run_scoped3A_59 : memref<!tpu.dma_semaphore, #tpu.memory_space<semaphore_mem>>) src(%dma_wait3A_68 : memref<640x16xf32, #tpu.memory_space<vmem_shared>>) dst(%dma_wait3A_66 : memref<640x16xf32, #tpu.memory_space<hbm>>)
      tpu.yield
    }) : () -> ()
    %barrier3A_38 = arith.constant 0 : index
    tpu.barrier barrier_id(%barrier3A_38)
    %add3A_39 = arith.constant 64 : i32
    %add3A_40 = arith.addi %add3A_39, %add3A : i32
    %mul3A_41 = arith.constant 5184 : i32
    %mul3A_42 = arith.muli %add3A_40, %mul3A_41 : i32
    "tpu.region"() ({
      %run_scoped3A_59 = tpu.sem_alloc : memref<!tpu.dma_semaphore, #tpu.memory_space<semaphore_mem>>
      %dma_start3A_60 = tpu.memref_slice %arg3[%mul3A_42] : memref<497664xi32, #tpu.memory_space<hbm>> -> memref<5184xi32, #tpu.memory_space<hbm>>
      %dma_start3A_61 = tpu.memref_slice %arg3[%mul3A_42] : memref<497664xi32, #tpu.memory_space<hbm>> -> memref<5184xi32, #tpu.memory_space<hbm>>
      tpu.enqueue_dma source(%dma_start3A_61 : memref<5184xi32, #tpu.memory_space<hbm>>) target(%arg12 : memref<5184xi32, #tpu.memory_space<vmem>>) target_semaphore(%run_scoped3A_59 : memref<!tpu.dma_semaphore, #tpu.memory_space<semaphore_mem>>)
      %dma_wait3A = tpu.memref_slice %arg3[%mul3A_42] : memref<497664xi32, #tpu.memory_space<hbm>> -> memref<5184xi32, #tpu.memory_space<hbm>>
      %dma_wait3A_62 = tpu.memref_slice %arg3[%mul3A_42] : memref<497664xi32, #tpu.memory_space<hbm>> -> memref<5184xi32, #tpu.memory_space<hbm>>
      tpu.wait_dma2 semaphore(%run_scoped3A_59 : memref<!tpu.dma_semaphore, #tpu.memory_space<semaphore_mem>>) src(%dma_wait3A_62 : memref<5184xi32, #tpu.memory_space<hbm>>) dst(%arg12 : memref<5184xi32, #tpu.memory_space<vmem>>)
      tpu.yield
    }) : () -> ()
    "tpu.region"() ({
      %run_scoped3A_59 = tpu.sem_alloc : memref<!tpu.dma_semaphore, #tpu.memory_space<semaphore_mem>>
      %dma_start3A_60 = tpu.memref_slice %arg4[%mul3A_42] : memref<497664xi32, #tpu.memory_space<hbm>> -> memref<5184xi32, #tpu.memory_space<hbm>>
      %dma_start3A_61 = tpu.memref_slice %arg4[%mul3A_42] : memref<497664xi32, #tpu.memory_space<hbm>> -> memref<5184xi32, #tpu.memory_space<hbm>>
      tpu.enqueue_dma source(%dma_start3A_61 : memref<5184xi32, #tpu.memory_space<hbm>>) target(%arg13 : memref<5184xi32, #tpu.memory_space<vmem>>) target_semaphore(%run_scoped3A_59 : memref<!tpu.dma_semaphore, #tpu.memory_space<semaphore_mem>>)
      %dma_wait3A = tpu.memref_slice %arg4[%mul3A_42] : memref<497664xi32, #tpu.memory_space<hbm>> -> memref<5184xi32, #tpu.memory_space<hbm>>
      %dma_wait3A_62 = tpu.memref_slice %arg4[%mul3A_42] : memref<497664xi32, #tpu.memory_space<hbm>> -> memref<5184xi32, #tpu.memory_space<hbm>>
      tpu.wait_dma2 semaphore(%run_scoped3A_59 : memref<!tpu.dma_semaphore, #tpu.memory_space<semaphore_mem>>) src(%dma_wait3A_62 : memref<5184xi32, #tpu.memory_space<hbm>>) dst(%arg13 : memref<5184xi32, #tpu.memory_space<vmem>>)
      tpu.yield
    }) : () -> ()
    %barrier3A_43 = arith.constant 0 : index
    tpu.barrier barrier_id(%barrier3A_43)
    %dma_start3A_44 = arith.constant 0 : i32
    %dma_start3A_45 = tpu.memref_slice %arg12[%dma_start3A_44] : memref<5184xi32, #tpu.memory_space<vmem>> -> memref<96xi32, #tpu.memory_space<vmem>>
    %dma_start3A_46 = arith.constant 0 : i32
    %dma_start3A_47 = arith.constant 0 : i32
    %dma_start3A_48 = tpu.memref_slice %arg2[%dma_start3A_46, %dma_start3A_47] : memref<10000x128xbf16, #tpu.memory_space<hbm>> -> memref<10000x128xbf16, #tpu.memory_space<hbm>>
    tpu.enqueue_indirect_dma source(%dma_start3A_48 : memref<10000x128xbf16, #tpu.memory_space<hbm>>) target(%arg14 : memref<96x128xbf16, #tpu.memory_space<vmem>>) offsets(%dma_start3A_45 : memref<96xi32, #tpu.memory_space<vmem>>) semaphore(%arg17 : memref<!tpu.dma_semaphore, #tpu.memory_space<semaphore_mem>>)
    %scan3A_49 = arith.constant 0 : i32
    %scan3A_50 = arith.constant 0 : i32
    %scan3A_51 = arith.constant 27 : i32
    %scan3A_52 = arith.addi %scan3A_50, %scan3A_51 : i32
    %scan3A_53 = arith.constant 1 : i32
    scf.for %scan3A_59 = %scan3A_50 to %scan3A_52 step %scan3A_53  : i32 {
      %mul3A_60 = arith.constant 2 : i32
      %mul3A_61 = arith.muli %mul3A_60, %scan3A_59 : i32
      %add3A_62 = arith.constant 1 : i32
      %add3A_63 = arith.addi %mul3A_61, %add3A_62 : i32
      %mul3A_64 = arith.constant 96 : i32
      %mul3A_65 = arith.muli %add3A_63, %mul3A_64 : i32
      %dma_start3A_66 = tpu.memref_slice %arg12[%mul3A_65] : memref<5184xi32, #tpu.memory_space<vmem>> -> memref<96xi32, #tpu.memory_space<vmem>>
      %dma_start3A_67 = arith.constant 0 : i32
      %dma_start3A_68 = arith.constant 0 : i32
      %dma_start3A_69 = tpu.memref_slice %arg2[%dma_start3A_67, %dma_start3A_68] : memref<10000x128xbf16, #tpu.memory_space<hbm>> -> memref<10000x128xbf16, #tpu.memory_space<hbm>>
      tpu.enqueue_indirect_dma source(%dma_start3A_69 : memref<10000x128xbf16, #tpu.memory_space<hbm>>) target(%arg15 : memref<96x128xbf16, #tpu.memory_space<vmem>>) offsets(%dma_start3A_66 : memref<96xi32, #tpu.memory_space<vmem>>) semaphore(%arg18 : memref<!tpu.dma_semaphore, #tpu.memory_space<semaphore_mem>>)
      %dma_wait3A = arith.constant 0 : i32
      %dma_wait3A_70 = arith.constant 0 : i32
      %dma_wait3A_71 = tpu.memref_slice %arg2[%dma_wait3A, %dma_wait3A_70] : memref<10000x128xbf16, #tpu.memory_space<hbm>> -> memref<96x128xbf16, #tpu.memory_space<hbm>>
      %dma_wait3A_72 = arith.constant 0 : i32
      %dma_wait3A_73 = arith.constant 0 : i32
      %dma_wait3A_74 = tpu.memref_slice %arg2[%dma_wait3A_72, %dma_wait3A_73] : memref<10000x128xbf16, #tpu.memory_space<hbm>> -> memref<96x128xbf16, #tpu.memory_space<hbm>>
      tpu.wait_dma2 semaphore(%arg17 : memref<!tpu.dma_semaphore, #tpu.memory_space<semaphore_mem>>) src(%dma_wait3A_74 : memref<96x128xbf16, #tpu.memory_space<hbm>>) dst(%arg14 : memref<96x128xbf16, #tpu.memory_space<vmem>>)
      %mul3A_75 = arith.constant 96 : i32
      %mul3A_76 = arith.muli %mul3A_61, %mul3A_75 : i32
      "tpu.region"() ({
        %run_scoped3A_89 = tpu.sem_alloc : memref<!tpu.dma_semaphore, #tpu.memory_space<semaphore_mem>>
        %dma_start3A_90 = tpu.memref_slice %arg13[%mul3A_76] : memref<5184xi32, #tpu.memory_space<vmem>> -> memref<96xi32, #tpu.memory_space<vmem>>
        %dma_start3A_91 = arith.constant 0 : i32
        %dma_start3A_92 = arith.constant 0 : i32
        %dma_start3A_93 = tpu.memref_slice %arg10[%dma_start3A_91, %dma_start3A_92] : memref<10240x128xbf16, #tpu.memory_space<vmem_shared>> -> memref<10240x128xbf16, #tpu.memory_space<vmem_shared>>
        tpu.enqueue_indirect_dma source(%arg14 : memref<96x128xbf16, #tpu.memory_space<vmem>>) target(%dma_start3A_93 : memref<10240x128xbf16, #tpu.memory_space<vmem_shared>>) offsets(%dma_start3A_90 : memref<96xi32, #tpu.memory_space<vmem>>) semaphore(%run_scoped3A_89 : memref<!tpu.dma_semaphore, #tpu.memory_space<semaphore_mem>>) {add = true}
        %dma_wait3A_94 = tpu.memref_slice %arg13[%mul3A_76] : memref<5184xi32, #tpu.memory_space<vmem>> -> memref<96xi32, #tpu.memory_space<vmem>>
        %dma_wait3A_95 = arith.constant 0 : i32
        %dma_wait3A_96 = arith.constant 0 : i32
        %dma_wait3A_97 = tpu.memref_slice %arg10[%dma_wait3A_95, %dma_wait3A_96] : memref<10240x128xbf16, #tpu.memory_space<vmem_shared>> -> memref<10240x128xbf16, #tpu.memory_space<vmem_shared>>
        tpu.wait_indirect_dma semaphore(%run_scoped3A_89 : memref<!tpu.dma_semaphore, #tpu.memory_space<semaphore_mem>>) src(%arg14 : memref<96x128xbf16, #tpu.memory_space<vmem>>) dst(%dma_wait3A_97 : memref<10240x128xbf16, #tpu.memory_space<vmem_shared>>)
        tpu.yield
      }) : () -> ()
      "tpu.region"() ({
        %run_scoped3A_89 = tpu.sem_alloc : memref<!tpu.dma_semaphore, #tpu.memory_space<semaphore_mem>>
        %dma_start3A_90 = tpu.memref_slice %arg13[%mul3A_76] : memref<5184xi32, #tpu.memory_space<vmem>> -> memref<96xi32, #tpu.memory_space<vmem>>
        %dma_start3A_91 = arith.constant 0 : i32
        %dma_start3A_92 = arith.constant 0 : i32
        %dma_start3A_93 = tpu.memref_slice %arg11[%dma_start3A_91, %dma_start3A_92] : memref<10240x16xf32, #tpu.memory_space<vmem_shared>> -> memref<10240x16xf32, #tpu.memory_space<vmem_shared>>
        tpu.enqueue_indirect_dma source(%arg16 : memref<96x16xf32, #tpu.memory_space<vmem>>) target(%dma_start3A_93 : memref<10240x16xf32, #tpu.memory_space<vmem_shared>>) offsets(%dma_start3A_90 : memref<96xi32, #tpu.memory_space<vmem>>) semaphore(%run_scoped3A_89 : memref<!tpu.dma_semaphore, #tpu.memory_space<semaphore_mem>>) {add = true}
        %dma_wait3A_94 = tpu.memref_slice %arg13[%mul3A_76] : memref<5184xi32, #tpu.memory_space<vmem>> -> memref<96xi32, #tpu.memory_space<vmem>>
        %dma_wait3A_95 = arith.constant 0 : i32
        %dma_wait3A_96 = arith.constant 0 : i32
        %dma_wait3A_97 = tpu.memref_slice %arg11[%dma_wait3A_95, %dma_wait3A_96] : memref<10240x16xf32, #tpu.memory_space<vmem_shared>> -> memref<10240x16xf32, #tpu.memory_space<vmem_shared>>
        tpu.wait_indirect_dma semaphore(%run_scoped3A_89 : memref<!tpu.dma_semaphore, #tpu.memory_space<semaphore_mem>>) src(%arg16 : memref<96x16xf32, #tpu.memory_space<vmem>>) dst(%dma_wait3A_97 : memref<10240x16xf32, #tpu.memory_space<vmem_shared>>)
        tpu.yield
      }) : () -> ()
      %lt3A = arith.constant 26 : i32
      %lt3A_77 = arith.cmpi slt, %scan3A_59, %lt3A : i32
      %convert_element_type3A = arith.extui %lt3A_77 : i1 to i32
      %cond3A = arith.constant 0 : i32
      %cond3A_78 = arith.cmpi ne, %convert_element_type3A, %cond3A : i32
      scf.if %cond3A_78 {
        %add3A_89 = arith.constant 2 : i32
        %add3A_90 = arith.addi %mul3A_61, %add3A_89 : i32
        %mul3A_91 = arith.constant 96 : i32
        %mul3A_92 = arith.muli %add3A_90, %mul3A_91 : i32
        %dma_start3A_93 = tpu.memref_slice %arg12[%mul3A_92] : memref<5184xi32, #tpu.memory_space<vmem>> -> memref<96xi32, #tpu.memory_space<vmem>>
        %dma_start3A_94 = arith.constant 0 : i32
        %dma_start3A_95 = arith.constant 0 : i32
        %dma_start3A_96 = tpu.memref_slice %arg2[%dma_start3A_94, %dma_start3A_95] : memref<10000x128xbf16, #tpu.memory_space<hbm>> -> memref<10000x128xbf16, #tpu.memory_space<hbm>>
        tpu.enqueue_indirect_dma source(%dma_start3A_96 : memref<10000x128xbf16, #tpu.memory_space<hbm>>) target(%arg14 : memref<96x128xbf16, #tpu.memory_space<vmem>>) offsets(%dma_start3A_93 : memref<96xi32, #tpu.memory_space<vmem>>) semaphore(%arg17 : memref<!tpu.dma_semaphore, #tpu.memory_space<semaphore_mem>>)
      } else {
      }
      %dma_wait3A_79 = arith.constant 0 : i32
      %dma_wait3A_80 = arith.constant 0 : i32
      %dma_wait3A_81 = tpu.memref_slice %arg2[%dma_wait3A_79, %dma_wait3A_80] : memref<10000x128xbf16, #tpu.memory_space<hbm>> -> memref<96x128xbf16, #tpu.memory_space<hbm>>
      %dma_wait3A_82 = arith.constant 0 : i32
      %dma_wait3A_83 = arith.constant 0 : i32
      %dma_wait3A_84 = tpu.memref_slice %arg2[%dma_wait3A_82, %dma_wait3A_83] : memref<10000x128xbf16, #tpu.memory_space<hbm>> -> memref<96x128xbf16, #tpu.memory_space<hbm>>
      tpu.wait_dma2 semaphore(%arg18 : memref<!tpu.dma_semaphore, #tpu.memory_space<semaphore_mem>>) src(%dma_wait3A_84 : memref<96x128xbf16, #tpu.memory_space<hbm>>) dst(%arg15 : memref<96x128xbf16, #tpu.memory_space<vmem>>)
      %add3A_85 = arith.constant 1 : i32
      %add3A_86 = arith.addi %mul3A_61, %add3A_85 : i32
      %mul3A_87 = arith.constant 96 : i32
      %mul3A_88 = arith.muli %add3A_86, %mul3A_87 : i32
      "tpu.region"() ({
        %run_scoped3A_89 = tpu.sem_alloc : memref<!tpu.dma_semaphore, #tpu.memory_space<semaphore_mem>>
        %dma_start3A_90 = tpu.memref_slice %arg13[%mul3A_88] : memref<5184xi32, #tpu.memory_space<vmem>> -> memref<96xi32, #tpu.memory_space<vmem>>
        %dma_start3A_91 = arith.constant 0 : i32
        %dma_start3A_92 = arith.constant 0 : i32
        %dma_start3A_93 = tpu.memref_slice %arg10[%dma_start3A_91, %dma_start3A_92] : memref<10240x128xbf16, #tpu.memory_space<vmem_shared>> -> memref<10240x128xbf16, #tpu.memory_space<vmem_shared>>
        tpu.enqueue_indirect_dma source(%arg15 : memref<96x128xbf16, #tpu.memory_space<vmem>>) target(%dma_start3A_93 : memref<10240x128xbf16, #tpu.memory_space<vmem_shared>>) offsets(%dma_start3A_90 : memref<96xi32, #tpu.memory_space<vmem>>) semaphore(%run_scoped3A_89 : memref<!tpu.dma_semaphore, #tpu.memory_space<semaphore_mem>>) {add = true}
        %dma_wait3A_94 = tpu.memref_slice %arg13[%mul3A_88] : memref<5184xi32, #tpu.memory_space<vmem>> -> memref<96xi32, #tpu.memory_space<vmem>>
        %dma_wait3A_95 = arith.constant 0 : i32
        %dma_wait3A_96 = arith.constant 0 : i32
        %dma_wait3A_97 = tpu.memref_slice %arg10[%dma_wait3A_95, %dma_wait3A_96] : memref<10240x128xbf16, #tpu.memory_space<vmem_shared>> -> memref<10240x128xbf16, #tpu.memory_space<vmem_shared>>
        tpu.wait_indirect_dma semaphore(%run_scoped3A_89 : memref<!tpu.dma_semaphore, #tpu.memory_space<semaphore_mem>>) src(%arg15 : memref<96x128xbf16, #tpu.memory_space<vmem>>) dst(%dma_wait3A_97 : memref<10240x128xbf16, #tpu.memory_space<vmem_shared>>)
        tpu.yield
      }) : () -> ()
      "tpu.region"() ({
        %run_scoped3A_89 = tpu.sem_alloc : memref<!tpu.dma_semaphore, #tpu.memory_space<semaphore_mem>>
        %dma_start3A_90 = tpu.memref_slice %arg13[%mul3A_88] : memref<5184xi32, #tpu.memory_space<vmem>> -> memref<96xi32, #tpu.memory_space<vmem>>
        %dma_start3A_91 = arith.constant 0 : i32
        %dma_start3A_92 = arith.constant 0 : i32
        %dma_start3A_93 = tpu.memref_slice %arg11[%dma_start3A_91, %dma_start3A_92] : memref<10240x16xf32, #tpu.memory_space<vmem_shared>> -> memref<10240x16xf32, #tpu.memory_space<vmem_shared>>
        tpu.enqueue_indirect_dma source(%arg16 : memref<96x16xf32, #tpu.memory_space<vmem>>) target(%dma_start3A_93 : memref<10240x16xf32, #tpu.memory_space<vmem_shared>>) offsets(%dma_start3A_90 : memref<96xi32, #tpu.memory_space<vmem>>) semaphore(%run_scoped3A_89 : memref<!tpu.dma_semaphore, #tpu.memory_space<semaphore_mem>>) {add = true}
        %dma_wait3A_94 = tpu.memref_slice %arg13[%mul3A_88] : memref<5184xi32, #tpu.memory_space<vmem>> -> memref<96xi32, #tpu.memory_space<vmem>>
        %dma_wait3A_95 = arith.constant 0 : i32
        %dma_wait3A_96 = arith.constant 0 : i32
        %dma_wait3A_97 = tpu.memref_slice %arg11[%dma_wait3A_95, %dma_wait3A_96] : memref<10240x16xf32, #tpu.memory_space<vmem_shared>> -> memref<10240x16xf32, #tpu.memory_space<vmem_shared>>
        tpu.wait_indirect_dma semaphore(%run_scoped3A_89 : memref<!tpu.dma_semaphore, #tpu.memory_space<semaphore_mem>>) src(%arg16 : memref<96x16xf32, #tpu.memory_space<vmem>>) dst(%dma_wait3A_97 : memref<10240x16xf32, #tpu.memory_space<vmem_shared>>)
        tpu.yield
      }) : () -> ()
    }
    %scan3A_54 = arith.constant 27 : i32
    %barrier3A_55 = arith.constant 0 : index
    tpu.barrier barrier_id(%barrier3A_55)
    %run_scoped3A_56 = arith.constant 2 : i32
    "tpu.region"() ({
      %run_scoped3A_59 = tpu.sem_alloc : memref<!tpu.dma_semaphore, #tpu.memory_space<semaphore_mem>>
      %dma_start3A_60 = arith.constant 0 : i32
      %dma_start3A_61 = tpu.memref_slice %arg8[%run_scoped3A_56, %arg0, %mul3A_2, %dma_start3A_60] : memref<3x2x10240x128xbf16, #tpu.memory_space<hbm>> -> memref<1x1x640x128xbf16, #tpu.memory_space<hbm>>
      %dma_start3A_62 = tpu.memref_squeeze %dma_start3A_61 : memref<1x1x640x128xbf16, #tpu.memory_space<hbm>> -> memref<640x128xbf16, #tpu.memory_space<hbm>>
      %dma_start3A_63 = arith.constant 0 : i32
      %dma_start3A_64 = tpu.memref_slice %arg10[%mul3A_2, %dma_start3A_63] : memref<10240x128xbf16, #tpu.memory_space<vmem_shared>> -> memref<640x128xbf16, #tpu.memory_space<vmem_shared>>
      tpu.enqueue_dma source(%dma_start3A_64 : memref<640x128xbf16, #tpu.memory_space<vmem_shared>>) target(%dma_start3A_62 : memref<640x128xbf16, #tpu.memory_space<hbm>>) target_semaphore(%run_scoped3A_59 : memref<!tpu.dma_semaphore, #tpu.memory_space<semaphore_mem>>)
      %dma_wait3A = arith.constant 0 : i32
      %dma_wait3A_65 = tpu.memref_slice %arg8[%run_scoped3A_56, %arg0, %mul3A_2, %dma_wait3A] : memref<3x2x10240x128xbf16, #tpu.memory_space<hbm>> -> memref<1x1x640x128xbf16, #tpu.memory_space<hbm>>
      %dma_wait3A_66 = tpu.memref_squeeze %dma_wait3A_65 : memref<1x1x640x128xbf16, #tpu.memory_space<hbm>> -> memref<640x128xbf16, #tpu.memory_space<hbm>>
      %dma_wait3A_67 = arith.constant 0 : i32
      %dma_wait3A_68 = tpu.memref_slice %arg10[%mul3A_2, %dma_wait3A_67] : memref<10240x128xbf16, #tpu.memory_space<vmem_shared>> -> memref<640x128xbf16, #tpu.memory_space<vmem_shared>>
      tpu.wait_dma2 semaphore(%run_scoped3A_59 : memref<!tpu.dma_semaphore, #tpu.memory_space<semaphore_mem>>) src(%dma_wait3A_68 : memref<640x128xbf16, #tpu.memory_space<vmem_shared>>) dst(%dma_wait3A_66 : memref<640x128xbf16, #tpu.memory_space<hbm>>)
      tpu.yield
    }) : () -> ()
    %run_scoped3A_57 = arith.constant 2 : i32
    "tpu.region"() ({
      %run_scoped3A_59 = tpu.sem_alloc : memref<!tpu.dma_semaphore, #tpu.memory_space<semaphore_mem>>
      %dma_start3A_60 = arith.constant 0 : i32
      %dma_start3A_61 = tpu.memref_slice %arg9[%run_scoped3A_57, %arg0, %mul3A_2, %dma_start3A_60] : memref<3x2x10240x16xf32, #tpu.memory_space<hbm>> -> memref<1x1x640x16xf32, #tpu.memory_space<hbm>>
      %dma_start3A_62 = tpu.memref_squeeze %dma_start3A_61 : memref<1x1x640x16xf32, #tpu.memory_space<hbm>> -> memref<640x16xf32, #tpu.memory_space<hbm>>
      %dma_start3A_63 = arith.constant 0 : i32
      %dma_start3A_64 = tpu.memref_slice %arg11[%mul3A_2, %dma_start3A_63] : memref<10240x16xf32, #tpu.memory_space<vmem_shared>> -> memref<640x16xf32, #tpu.memory_space<vmem_shared>>
      tpu.enqueue_dma source(%dma_start3A_64 : memref<640x16xf32, #tpu.memory_space<vmem_shared>>) target(%dma_start3A_62 : memref<640x16xf32, #tpu.memory_space<hbm>>) target_semaphore(%run_scoped3A_59 : memref<!tpu.dma_semaphore, #tpu.memory_space<semaphore_mem>>)
      %dma_wait3A = arith.constant 0 : i32
      %dma_wait3A_65 = tpu.memref_slice %arg9[%run_scoped3A_57, %arg0, %mul3A_2, %dma_wait3A] : memref<3x2x10240x16xf32, #tpu.memory_space<hbm>> -> memref<1x1x640x16xf32, #tpu.memory_space<hbm>>
      %dma_wait3A_66 = tpu.memref_squeeze %dma_wait3A_65 : memref<1x1x640x16xf32, #tpu.memory_space<hbm>> -> memref<640x16xf32, #tpu.memory_space<hbm>>
      %dma_wait3A_67 = arith.constant 0 : i32
      %dma_wait3A_68 = tpu.memref_slice %arg11[%mul3A_2, %dma_wait3A_67] : memref<10240x16xf32, #tpu.memory_space<vmem_shared>> -> memref<640x16xf32, #tpu.memory_space<vmem_shared>>
      tpu.wait_dma2 semaphore(%run_scoped3A_59 : memref<!tpu.dma_semaphore, #tpu.memory_space<semaphore_mem>>) src(%dma_wait3A_68 : memref<640x16xf32, #tpu.memory_space<vmem_shared>>) dst(%dma_wait3A_66 : memref<640x16xf32, #tpu.memory_space<hbm>>)
      tpu.yield
    }) : () -> ()
    %barrier3A_58 = arith.constant 0 : index
    tpu.barrier barrier_id(%barrier3A_58)
    return
  }
}

module attributes {stable_mosaic.version = 14 : i64} {
  func.func @_norm_body(%arg0: i32, %arg1: memref<3x2x1280x128xf32, #tpu.memory_space<vmem>>, %arg2: memref<3x1280x8xf32, #tpu.memory_space<vmem>>) attributes {dimension_semantics = [#tpu.dimension_semantics<arbitrary>], iteration_bounds = array<i64: 1>, scalar_prefetch = 0 : i64, scratch_operands = 0 : i64, tpu.core_type = #tpu.core_type<tc>, window_params = [{pipeline_mode = #tpu.pipeline_mode<synchronous>, transform_indices = @transform_0, window_bounds = array<i64: 3, 2, 1280, 128>}, {pipeline_mode = #tpu.pipeline_mode<synchronous>, transform_indices = @transform_1, window_bounds = array<i64: 3, 1280, 8>}]} {
    %iota3A = tpu.iota {dimensions = array<i32: 0>} : vector<128x8xi32>
    %jit3A = arith.constant 16 : i32
    %div3A = vector.broadcast %jit3A : i32 to vector<128x8xi32>
    %div3A_0 = arith.divsi %iota3A, %div3A : vector<128x8xi32>
    %sign3A = arith.constant 0 : i32
    %sign3A_1 = vector.broadcast %sign3A : i32 to vector<128x8xi32>
    %sign3A_2 = arith.cmpi sgt, %iota3A, %sign3A_1 : vector<128x8xi32>
    %sign3A_3 = arith.extui %sign3A_2 : vector<128x8xi1> to vector<128x8xi32>
    %sign3A_4 = arith.constant 0 : i32
    %sign3A_5 = vector.broadcast %sign3A_4 : i32 to vector<128x8xi32>
    %sign3A_6 = arith.cmpi slt, %iota3A, %sign3A_5 : vector<128x8xi32>
    %sign3A_7 = arith.extui %sign3A_6 : vector<128x8xi1> to vector<128x8xi32>
    %sign3A_8 = arith.subi %sign3A_3, %sign3A_7 : vector<128x8xi32>
    %sign3A_9 = arith.constant 0 : i32
    %sign3A_10 = arith.cmpi sgt, %jit3A, %sign3A_9 : i32
    %sign3A_11 = arith.extui %sign3A_10 : i1 to i32
    %sign3A_12 = arith.constant 0 : i32
    %sign3A_13 = arith.cmpi slt, %jit3A, %sign3A_12 : i32
    %sign3A_14 = arith.extui %sign3A_13 : i1 to i32
    %sign3A_15 = arith.subi %sign3A_11, %sign3A_14 : i32
    %ne3A = vector.broadcast %sign3A_15 : i32 to vector<128x8xi32>
    %ne3A_16 = arith.cmpi ne, %sign3A_8, %ne3A : vector<128x8xi32>
    %rem3A = vector.broadcast %jit3A : i32 to vector<128x8xi32>
    %rem3A_17 = arith.remsi %iota3A, %rem3A : vector<128x8xi32>
    %ne3A_18 = arith.constant 0 : i32
    %ne3A_19 = vector.broadcast %ne3A_18 : i32 to vector<128x8xi32>
    %ne3A_20 = arith.cmpi ne, %rem3A_17, %ne3A_19 : vector<128x8xi32>
    %and3A = arith.andi %ne3A_16, %ne3A_20 : vector<128x8xi1>
    %sub3A = arith.constant 1 : i32
    %sub3A_21 = vector.broadcast %sub3A : i32 to vector<128x8xi32>
    %sub3A_22 = arith.subi %div3A_0, %sub3A_21 : vector<128x8xi32>
    %select_n3A = arith.select %and3A, %sub3A_22, %div3A_0 : vector<128x8xi1>, vector<128x8xi32>
    %iota3A_23 = tpu.iota {dimensions = array<i32: 1>} : vector<128x8xi32>
    %eq3A = arith.cmpi eq, %select_n3A, %iota3A_23 : vector<128x8xi32>
    %jit3A_24 = arith.constant 1.000000e+00 : f32
    %jit3A_25 = arith.constant 0.000000e+00 : f32
    %broadcast_in_dim3A = vector.broadcast %jit3A_24 : f32 to vector<128x8xf32>
    %broadcast_in_dim3A_26 = vector.broadcast %jit3A_25 : f32 to vector<128x8xf32>
    %select_n3A_27 = arith.select %eq3A, %broadcast_in_dim3A, %broadcast_in_dim3A_26 : vector<128x8xi1>, vector<128x8xf32>
    %broadcast_in_dim3A_28 = arith.constant 0.000000e+00 : f32
    %broadcast_in_dim3A_29 = vector.broadcast %broadcast_in_dim3A_28 : f32 to vector<1280x8xf32>
    %get3A = arith.constant 0 : index
    %get3A_30 = arith.constant 0 : index
    %get3A_31 = arith.constant 0 : index
    %get3A_32 = arith.constant 0 : index
    %get3A_33 = vector.load %arg1[%get3A, %get3A_30, %get3A_31, %get3A_32] : memref<3x2x1280x128xf32, #tpu.memory_space<vmem>>, vector<1x1x1280x128xf32>
    %get3A_34 = vector.shape_cast %get3A_33 : vector<1x1x1280x128xf32> to vector<1280x128xf32>
    %get3A_35 = arith.constant 0 : index
    %get3A_36 = arith.constant 1 : index
    %get3A_37 = arith.constant 0 : index
    %get3A_38 = arith.constant 0 : index
    %get3A_39 = vector.load %arg1[%get3A_35, %get3A_36, %get3A_37, %get3A_38] : memref<3x2x1280x128xf32, #tpu.memory_space<vmem>>, vector<1x1x1280x128xf32>
    %get3A_40 = vector.shape_cast %get3A_39 : vector<1x1x1280x128xf32> to vector<1280x128xf32>
    %add3A = arith.addf %get3A_34, %get3A_40 : vector<1280x128xf32>
    %dot_general3A = arith.constant dense<0.000000e+00> : vector<1280x8xf32>
    %dot_general3A_41 = tpu.matmul %add3A, %select_n3A_27, %dot_general3A {dimension_numbers = #tpu.dot_dimension_numbers<[1], [0], [0], [1], [0, 0, 1, 1], [], []>, transpose_lhs_hint = false} : vector<1280x128xf32>, vector<128x8xf32>, vector<1280x8xf32> -> vector<1280x8xf32>
    %sub3A_42 = arith.subf %dot_general3A_41, %broadcast_in_dim3A_29 : vector<1280x8xf32>
    %gt3A = arith.constant 0.000000e+00 : f32
    %gt3A_43 = vector.broadcast %gt3A : f32 to vector<1280x8xf32>
    %gt3A_44 = arith.cmpf ogt, %sub3A_42, %gt3A_43 : vector<1280x8xf32>
    %max3A = arith.constant 1.000000e+00 : f32
    %max3A_45 = vector.broadcast %max3A : f32 to vector<1280x8xf32>
    %max3A_46 = arith.maximumf %sub3A_42, %max3A_45 : vector<1280x8xf32>
    %div3A_47 = arith.constant 1.000000e+00 : f32
    %div3A_48 = vector.broadcast %div3A_47 : f32 to vector<1280x8xf32>
    %div3A_49 = arith.divf %div3A_48, %max3A_46 : vector<1280x8xf32>
    %jit3A_50 = arith.constant 0.000000e+00 : f32
    %broadcast_in_dim3A_51 = vector.broadcast %jit3A_50 : f32 to vector<1280x8xf32>
    %select_n3A_52 = arith.select %gt3A_44, %div3A_49, %broadcast_in_dim3A_51 : vector<1280x8xi1>, vector<1280x8xf32>
    %swap3A = arith.constant 0 : index
    %swap3A_53 = arith.constant 0 : index
    %swap3A_54 = arith.constant 0 : index
    %swap3A_55 = vector.load %arg2[%swap3A, %swap3A_53, %swap3A_54] : memref<3x1280x8xf32, #tpu.memory_space<vmem>>, vector<1x1280x8xf32>
    %swap3A_56 = vector.shape_cast %swap3A_55 : vector<1x1280x8xf32> to vector<1280x8xf32>
    %swap3A_57 = vector.shape_cast %select_n3A_52 : vector<1280x8xf32> to vector<1x1280x8xf32>
    tpu.vector_store %arg2[%swap3A, %swap3A_53, %swap3A_54], %swap3A_57 {strides = array<i32>} : memref<3x1280x8xf32, #tpu.memory_space<vmem>>, vector<1x1280x8xf32>,
    %get3A_58 = arith.constant 1 : index
    %get3A_59 = arith.constant 0 : index
    %get3A_60 = arith.constant 0 : index
    %get3A_61 = arith.constant 0 : index
    %get3A_62 = vector.load %arg1[%get3A_58, %get3A_59, %get3A_60, %get3A_61] : memref<3x2x1280x128xf32, #tpu.memory_space<vmem>>, vector<1x1x1280x128xf32>
    %get3A_63 = vector.shape_cast %get3A_62 : vector<1x1x1280x128xf32> to vector<1280x128xf32>
    %get3A_64 = arith.constant 1 : index
    %get3A_65 = arith.constant 1 : index
    %get3A_66 = arith.constant 0 : index
    %get3A_67 = arith.constant 0 : index
    %get3A_68 = vector.load %arg1[%get3A_64, %get3A_65, %get3A_66, %get3A_67] : memref<3x2x1280x128xf32, #tpu.memory_space<vmem>>, vector<1x1x1280x128xf32>
    %get3A_69 = vector.shape_cast %get3A_68 : vector<1x1x1280x128xf32> to vector<1280x128xf32>
    %add3A_70 = arith.addf %get3A_63, %get3A_69 : vector<1280x128xf32>
    %dot_general3A_71 = arith.constant dense<0.000000e+00> : vector<1280x8xf32>
    %dot_general3A_72 = tpu.matmul %add3A_70, %select_n3A_27, %dot_general3A_71 {dimension_numbers = #tpu.dot_dimension_numbers<[1], [0], [0], [1], [0, 0, 1, 1], [], []>, transpose_lhs_hint = false} : vector<1280x128xf32>, vector<128x8xf32>, vector<1280x8xf32> -> vector<1280x8xf32>
    %sub3A_73 = arith.subf %dot_general3A_72, %dot_general3A_41 : vector<1280x8xf32>
    %gt3A_74 = arith.constant 0.000000e+00 : f32
    %gt3A_75 = vector.broadcast %gt3A_74 : f32 to vector<1280x8xf32>
    %gt3A_76 = arith.cmpf ogt, %sub3A_73, %gt3A_75 : vector<1280x8xf32>
    %max3A_77 = arith.constant 1.000000e+00 : f32
    %max3A_78 = vector.broadcast %max3A_77 : f32 to vector<1280x8xf32>
    %max3A_79 = arith.maximumf %sub3A_73, %max3A_78 : vector<1280x8xf32>
    %div3A_80 = arith.constant 1.000000e+00 : f32
    %div3A_81 = vector.broadcast %div3A_80 : f32 to vector<1280x8xf32>
    %div3A_82 = arith.divf %div3A_81, %max3A_79 : vector<1280x8xf32>
    %jit3A_83 = arith.constant 0.000000e+00 : f32
    %broadcast_in_dim3A_84 = vector.broadcast %jit3A_83 : f32 to vector<1280x8xf32>
    %select_n3A_85 = arith.select %gt3A_76, %div3A_82, %broadcast_in_dim3A_84 : vector<1280x8xi1>, vector<1280x8xf32>
    %swap3A_86 = arith.constant 1 : index
    %swap3A_87 = arith.constant 0 : index
    %swap3A_88 = arith.constant 0 : index
    %swap3A_89 = vector.load %arg2[%swap3A_86, %swap3A_87, %swap3A_88] : memref<3x1280x8xf32, #tpu.memory_space<vmem>>, vector<1x1280x8xf32>
    %swap3A_90 = vector.shape_cast %swap3A_89 : vector<1x1280x8xf32> to vector<1280x8xf32>
    %swap3A_91 = vector.shape_cast %select_n3A_85 : vector<1280x8xf32> to vector<1x1280x8xf32>
    tpu.vector_store %arg2[%swap3A_86, %swap3A_87, %swap3A_88], %swap3A_91 {strides = array<i32>} : memref<3x1280x8xf32, #tpu.memory_space<vmem>>, vector<1x1280x8xf32>,
    %get3A_92 = arith.constant 2 : index
    %get3A_93 = arith.constant 0 : index
    %get3A_94 = arith.constant 0 : index
    %get3A_95 = arith.constant 0 : index
    %get3A_96 = vector.load %arg1[%get3A_92, %get3A_93, %get3A_94, %get3A_95] : memref<3x2x1280x128xf32, #tpu.memory_space<vmem>>, vector<1x1x1280x128xf32>
    %get3A_97 = vector.shape_cast %get3A_96 : vector<1x1x1280x128xf32> to vector<1280x128xf32>
    %get3A_98 = arith.constant 2 : index
    %get3A_99 = arith.constant 1 : index
    %get3A_100 = arith.constant 0 : index
    %get3A_101 = arith.constant 0 : index
    %get3A_102 = vector.load %arg1[%get3A_98, %get3A_99, %get3A_100, %get3A_101] : memref<3x2x1280x128xf32, #tpu.memory_space<vmem>>, vector<1x1x1280x128xf32>
    %get3A_103 = vector.shape_cast %get3A_102 : vector<1x1x1280x128xf32> to vector<1280x128xf32>
    %add3A_104 = arith.addf %get3A_97, %get3A_103 : vector<1280x128xf32>
    %dot_general3A_105 = arith.constant dense<0.000000e+00> : vector<1280x8xf32>
    %dot_general3A_106 = tpu.matmul %add3A_104, %select_n3A_27, %dot_general3A_105 {dimension_numbers = #tpu.dot_dimension_numbers<[1], [0], [0], [1], [0, 0, 1, 1], [], []>, transpose_lhs_hint = false} : vector<1280x128xf32>, vector<128x8xf32>, vector<1280x8xf32> -> vector<1280x8xf32>
    %sub3A_107 = arith.subf %dot_general3A_106, %dot_general3A_72 : vector<1280x8xf32>
    %gt3A_108 = arith.constant 0.000000e+00 : f32
    %gt3A_109 = vector.broadcast %gt3A_108 : f32 to vector<1280x8xf32>
    %gt3A_110 = arith.cmpf ogt, %sub3A_107, %gt3A_109 : vector<1280x8xf32>
    %max3A_111 = arith.constant 1.000000e+00 : f32
    %max3A_112 = vector.broadcast %max3A_111 : f32 to vector<1280x8xf32>
    %max3A_113 = arith.maximumf %sub3A_107, %max3A_112 : vector<1280x8xf32>
    %div3A_114 = arith.constant 1.000000e+00 : f32
    %div3A_115 = vector.broadcast %div3A_114 : f32 to vector<1280x8xf32>
    %div3A_116 = arith.divf %div3A_115, %max3A_113 : vector<1280x8xf32>
    %jit3A_117 = arith.constant 0.000000e+00 : f32
    %broadcast_in_dim3A_118 = vector.broadcast %jit3A_117 : f32 to vector<1280x8xf32>
    %select_n3A_119 = arith.select %gt3A_110, %div3A_116, %broadcast_in_dim3A_118 : vector<1280x8xi1>, vector<1280x8xf32>
    %swap3A_120 = arith.constant 2 : index
    %swap3A_121 = arith.constant 0 : index
    %swap3A_122 = arith.constant 0 : index
    %swap3A_123 = vector.load %arg2[%swap3A_120, %swap3A_121, %swap3A_122] : memref<3x1280x8xf32, #tpu.memory_space<vmem>>, vector<1x1280x8xf32>
    %swap3A_124 = vector.shape_cast %swap3A_123 : vector<1x1280x8xf32> to vector<1280x8xf32>
    %swap3A_125 = vector.shape_cast %select_n3A_119 : vector<1280x8xf32> to vector<1x1280x8xf32>
    tpu.vector_store %arg2[%swap3A_120, %swap3A_121, %swap3A_122], %swap3A_125 {strides = array<i32>} : memref<3x1280x8xf32, #tpu.memory_space<vmem>>, vector<1x1280x8xf32>,
    return
  }
  func.func @transform_0(%arg0: i32) -> (i32, i32, i32, i32) {
    %c0_i32 = arith.constant 0 : i32
    %c0_i32_0 = arith.constant 0 : i32
    %c0_i32_1 = arith.constant 0 : i32
    %c0_i32_2 = arith.constant 0 : i32
    %c0_i32_3 = arith.constant 0 : i32
    return %c0_i32, %c0_i32_0, %c0_i32_1, %c0_i32_2 : i32, i32, i32, i32
  }
  func.func @transform_1(%arg0: i32) -> (i32, i32, i32) {
    %c0_i32 = arith.constant 0 : i32
    %c0_i32_0 = arith.constant 0 : i32
    %c0_i32_1 = arith.constant 0 : i32
    %c0_i32_2 = arith.constant 0 : i32
    return %c0_i32, %c0_i32_0, %c0_i32_1 : i32, i32, i32
  }
}

module attributes {stable_mosaic.version = 14 : i64} {
  func.func @_tc_body(%arg0: i32, %arg1: memref<512x128xf32, #tpu.memory_space<vmem>>, %arg2: memref<3x2x512x128xbf16, #tpu.memory_space<vmem>>, %arg3: memref<512x3xf32, #tpu.memory_space<vmem>>, %arg4: memref<3x128x128xf32, #tpu.memory_space<vmem>>, %arg5: memref<128x128xf32, #tpu.memory_space<vmem>>, %arg6: memref<1x128xf32, #tpu.memory_space<vmem>>, %arg7: memref<512x128xf32, #tpu.memory_space<vmem>>) attributes {dimension_semantics = [#tpu.dimension_semantics<arbitrary>], iteration_bounds = array<i64: 20>, scalar_prefetch = 0 : i64, scratch_operands = 0 : i64, tpu.core_type = #tpu.core_type<tc>, window_params = [{transform_indices = @transform_0, window_bounds = array<i64: 512, 128>}, {transform_indices = @transform_1, window_bounds = array<i64: 3, 2, 512, 128>}, {transform_indices = @transform_2, window_bounds = array<i64: 512, 3>}, {pipeline_mode = #tpu.pipeline_mode<synchronous>, transform_indices = @transform_3, window_bounds = array<i64: 3, 128, 128>}, {pipeline_mode = #tpu.pipeline_mode<synchronous>, transform_indices = @transform_4, window_bounds = array<i64: 128, 128>}, {pipeline_mode = #tpu.pipeline_mode<synchronous>, transform_indices = @transform_5, window_bounds = array<i64: 1, 128>}, {transform_indices = @transform_6, window_bounds = array<i64: 512, 128>}]} {
    %get3A = arith.constant 0 : index
    %get3A_0 = arith.constant 0 : index
    %get3A_1 = vector.load %arg1[%get3A, %get3A_0] : memref<512x128xf32, #tpu.memory_space<vmem>>, vector<512x128xf32>
    %get3A_2 = arith.constant 0 : index
    %get3A_3 = arith.constant 0 : index
    %get3A_4 = vector.load %arg5[%get3A_2, %get3A_3] : memref<128x128xf32, #tpu.memory_space<vmem>>, vector<128x128xf32>
    %dot_general3A = arith.constant dense<0.000000e+00> : vector<512x128xf32>
    %dot_general3A_5 = tpu.matmul %get3A_1, %get3A_4, %dot_general3A {dimension_numbers = #tpu.dot_dimension_numbers<[1], [0], [0], [1], [0, 0, 1, 1], [], []>, transpose_lhs_hint = false} : vector<512x128xf32>, vector<128x128xf32>, vector<512x128xf32> -> vector<512x128xf32>
    %broadcast_in_dim3A = arith.constant 0.000000e+00 : f32
    %broadcast_in_dim3A_6 = vector.broadcast %broadcast_in_dim3A : f32 to vector<512x128xf32>
    %get3A_7 = arith.constant 0 : index
    %get3A_8 = arith.constant 0 : index
    %get3A_9 = arith.constant 0 : index
    %get3A_10 = arith.constant 0 : index
    %get3A_11 = vector.load %arg2[%get3A_7, %get3A_8, %get3A_9, %get3A_10] : memref<3x2x512x128xbf16, #tpu.memory_space<vmem>>, vector<1x1x512x128xbf16>
    %get3A_12 = vector.shape_cast %get3A_11 : vector<1x1x512x128xbf16> to vector<512x128xbf16>
    %convert_element_type3A = arith.extf %get3A_12 : vector<512x128xbf16> to vector<512x128xf32>
    %get3A_13 = arith.constant 0 : index
    %get3A_14 = arith.constant 1 : index
    %get3A_15 = arith.constant 0 : index
    %get3A_16 = arith.constant 0 : index
    %get3A_17 = vector.load %arg2[%get3A_13, %get3A_14, %get3A_15, %get3A_16] : memref<3x2x512x128xbf16, #tpu.memory_space<vmem>>, vector<1x1x512x128xbf16>
    %get3A_18 = vector.shape_cast %get3A_17 : vector<1x1x512x128xbf16> to vector<512x128xbf16>
    %convert_element_type3A_19 = arith.extf %get3A_18 : vector<512x128xbf16> to vector<512x128xf32>
    %add3A = arith.addf %convert_element_type3A, %convert_element_type3A_19 : vector<512x128xf32>
    %sub3A = arith.subf %add3A, %broadcast_in_dim3A_6 : vector<512x128xf32>
    %get3A_20 = arith.constant 0 : index
    %get3A_21 = arith.constant 0 : index
    %get3A_22 = vector.load %arg3[%get3A_20, %get3A_21] : memref<512x3xf32, #tpu.memory_space<vmem>>, vector<512x1xf32>
    %mul3A = vector.broadcast %get3A_22 : vector<512x1xf32> to vector<512x128xf32>
    %mul3A_23 = arith.mulf %sub3A, %mul3A : vector<512x128xf32>
    %get3A_24 = arith.constant 0 : index
    %get3A_25 = arith.constant 0 : index
    %get3A_26 = arith.constant 0 : index
    %get3A_27 = vector.load %arg4[%get3A_24, %get3A_25, %get3A_26] : memref<3x128x128xf32, #tpu.memory_space<vmem>>, vector<1x128x128xf32>
    %get3A_28 = vector.shape_cast %get3A_27 : vector<1x128x128xf32> to vector<128x128xf32>
    %dot_general3A_29 = arith.constant dense<0.000000e+00> : vector<512x128xf32>
    %dot_general3A_30 = tpu.matmul %mul3A_23, %get3A_28, %dot_general3A_29 {dimension_numbers = #tpu.dot_dimension_numbers<[1], [0], [0], [1], [0, 0, 1, 1], [], []>, transpose_lhs_hint = false} : vector<512x128xf32>, vector<128x128xf32>, vector<512x128xf32> -> vector<512x128xf32>
    %add3A_31 = arith.addf %dot_general3A_5, %dot_general3A_30 : vector<512x128xf32>
    %get3A_32 = arith.constant 1 : index
    %get3A_33 = arith.constant 0 : index
    %get3A_34 = arith.constant 0 : index
    %get3A_35 = arith.constant 0 : index
    %get3A_36 = vector.load %arg2[%get3A_32, %get3A_33, %get3A_34, %get3A_35] : memref<3x2x512x128xbf16, #tpu.memory_space<vmem>>, vector<1x1x512x128xbf16>
    %get3A_37 = vector.shape_cast %get3A_36 : vector<1x1x512x128xbf16> to vector<512x128xbf16>
    %convert_element_type3A_38 = arith.extf %get3A_37 : vector<512x128xbf16> to vector<512x128xf32>
    %get3A_39 = arith.constant 1 : index
    %get3A_40 = arith.constant 1 : index
    %get3A_41 = arith.constant 0 : index
    %get3A_42 = arith.constant 0 : index
    %get3A_43 = vector.load %arg2[%get3A_39, %get3A_40, %get3A_41, %get3A_42] : memref<3x2x512x128xbf16, #tpu.memory_space<vmem>>, vector<1x1x512x128xbf16>
    %get3A_44 = vector.shape_cast %get3A_43 : vector<1x1x512x128xbf16> to vector<512x128xbf16>
    %convert_element_type3A_45 = arith.extf %get3A_44 : vector<512x128xbf16> to vector<512x128xf32>
    %add3A_46 = arith.addf %convert_element_type3A_38, %convert_element_type3A_45 : vector<512x128xf32>
    %sub3A_47 = arith.subf %add3A_46, %add3A : vector<512x128xf32>
    %get3A_48 = arith.constant 0 : index
    %get3A_49 = arith.constant 1 : index
    %get3A_50 = vector.load %arg3[%get3A_48, %get3A_49] : memref<512x3xf32, #tpu.memory_space<vmem>>, vector<512x1xf32>
    %mul3A_51 = vector.broadcast %get3A_50 : vector<512x1xf32> to vector<512x128xf32>
    %mul3A_52 = arith.mulf %sub3A_47, %mul3A_51 : vector<512x128xf32>
    %get3A_53 = arith.constant 1 : index
    %get3A_54 = arith.constant 0 : index
    %get3A_55 = arith.constant 0 : index
    %get3A_56 = vector.load %arg4[%get3A_53, %get3A_54, %get3A_55] : memref<3x128x128xf32, #tpu.memory_space<vmem>>, vector<1x128x128xf32>
    %get3A_57 = vector.shape_cast %get3A_56 : vector<1x128x128xf32> to vector<128x128xf32>
    %dot_general3A_58 = arith.constant dense<0.000000e+00> : vector<512x128xf32>
    %dot_general3A_59 = tpu.matmul %mul3A_52, %get3A_57, %dot_general3A_58 {dimension_numbers = #tpu.dot_dimension_numbers<[1], [0], [0], [1], [0, 0, 1, 1], [], []>, transpose_lhs_hint = false} : vector<512x128xf32>, vector<128x128xf32>, vector<512x128xf32> -> vector<512x128xf32>
    %add3A_60 = arith.addf %add3A_31, %dot_general3A_59 : vector<512x128xf32>
    %get3A_61 = arith.constant 2 : index
    %get3A_62 = arith.constant 0 : index
    %get3A_63 = arith.constant 0 : index
    %get3A_64 = arith.constant 0 : index
    %get3A_65 = vector.load %arg2[%get3A_61, %get3A_62, %get3A_63, %get3A_64] : memref<3x2x512x128xbf16, #tpu.memory_space<vmem>>, vector<1x1x512x128xbf16>
    %get3A_66 = vector.shape_cast %get3A_65 : vector<1x1x512x128xbf16> to vector<512x128xbf16>
    %convert_element_type3A_67 = arith.extf %get3A_66 : vector<512x128xbf16> to vector<512x128xf32>
    %get3A_68 = arith.constant 2 : index
    %get3A_69 = arith.constant 1 : index
    %get3A_70 = arith.constant 0 : index
    %get3A_71 = arith.constant 0 : index
    %get3A_72 = vector.load %arg2[%get3A_68, %get3A_69, %get3A_70, %get3A_71] : memref<3x2x512x128xbf16, #tpu.memory_space<vmem>>, vector<1x1x512x128xbf16>
    %get3A_73 = vector.shape_cast %get3A_72 : vector<1x1x512x128xbf16> to vector<512x128xbf16>
    %convert_element_type3A_74 = arith.extf %get3A_73 : vector<512x128xbf16> to vector<512x128xf32>
    %add3A_75 = arith.addf %convert_element_type3A_67, %convert_element_type3A_74 : vector<512x128xf32>
    %sub3A_76 = arith.subf %add3A_75, %add3A_46 : vector<512x128xf32>
    %get3A_77 = arith.constant 0 : index
    %get3A_78 = arith.constant 2 : index
    %get3A_79 = vector.load %arg3[%get3A_77, %get3A_78] : memref<512x3xf32, #tpu.memory_space<vmem>>, vector<512x1xf32>
    %mul3A_80 = vector.broadcast %get3A_79 : vector<512x1xf32> to vector<512x128xf32>
    %mul3A_81 = arith.mulf %sub3A_76, %mul3A_80 : vector<512x128xf32>
    %get3A_82 = arith.constant 2 : index
    %get3A_83 = arith.constant 0 : index
    %get3A_84 = arith.constant 0 : index
    %get3A_85 = vector.load %arg4[%get3A_82, %get3A_83, %get3A_84] : memref<3x128x128xf32, #tpu.memory_space<vmem>>, vector<1x128x128xf32>
    %get3A_86 = vector.shape_cast %get3A_85 : vector<1x128x128xf32> to vector<128x128xf32>
    %dot_general3A_87 = arith.constant dense<0.000000e+00> : vector<512x128xf32>
    %dot_general3A_88 = tpu.matmul %mul3A_81, %get3A_86, %dot_general3A_87 {dimension_numbers = #tpu.dot_dimension_numbers<[1], [0], [0], [1], [0, 0, 1, 1], [], []>, transpose_lhs_hint = false} : vector<512x128xf32>, vector<128x128xf32>, vector<512x128xf32> -> vector<512x128xf32>
    %add3A_89 = arith.addf %add3A_60, %dot_general3A_88 : vector<512x128xf32>
    %get3A_90 = arith.constant 0 : index
    %get3A_91 = arith.constant 0 : index
    %get3A_92 = vector.load %arg6[%get3A_90, %get3A_91] : memref<1x128xf32, #tpu.memory_space<vmem>>, vector<1x128xf32>
    %add3A_93 = vector.broadcast %get3A_92 : vector<1x128xf32> to vector<512x128xf32>
    %add3A_94 = arith.addf %add3A_89, %add3A_93 : vector<512x128xf32>
    %max3A = arith.constant 0.000000e+00 : f32
    %max3A_95 = vector.broadcast %max3A : f32 to vector<512x128xf32>
    %max3A_96 = arith.maximumf %add3A_94, %max3A_95 : vector<512x128xf32>
    %swap3A = arith.constant 0 : index
    %swap3A_97 = arith.constant 0 : index
    %swap3A_98 = vector.load %arg7[%swap3A, %swap3A_97] : memref<512x128xf32, #tpu.memory_space<vmem>>, vector<512x128xf32>
    tpu.vector_store %arg7[%swap3A, %swap3A_97], %max3A_96 {strides = array<i32>} : memref<512x128xf32, #tpu.memory_space<vmem>>, vector<512x128xf32>,
    return
  }
  func.func @transform_0(%arg0: i32) -> (i32, i32) {
    %c0_i32 = arith.constant 0 : i32
    %c0_i32_0 = arith.constant 0 : i32
    return %arg0, %c0_i32 : i32, i32
  }
  func.func @transform_1(%arg0: i32) -> (i32, i32, i32, i32) {
    %c0_i32 = arith.constant 0 : i32
    %c0_i32_0 = arith.constant 0 : i32
    %c0_i32_1 = arith.constant 0 : i32
    %c0_i32_2 = arith.constant 0 : i32
    return %c0_i32, %c0_i32_0, %arg0, %c0_i32_1 : i32, i32, i32, i32
  }
  func.func @transform_2(%arg0: i32) -> (i32, i32) {
    %c0_i32 = arith.constant 0 : i32
    %c0_i32_0 = arith.constant 0 : i32
    return %arg0, %c0_i32 : i32, i32
  }
  func.func @transform_3(%arg0: i32) -> (i32, i32, i32) {
    %c0_i32 = arith.constant 0 : i32
    %c0_i32_0 = arith.constant 0 : i32
    %c0_i32_1 = arith.constant 0 : i32
    %c0_i32_2 = arith.constant 0 : i32
    return %c0_i32, %c0_i32_0, %c0_i32_1 : i32, i32, i32
  }
  func.func @transform_4(%arg0: i32) -> (i32, i32) {
    %c0_i32 = arith.constant 0 : i32
    %c0_i32_0 = arith.constant 0 : i32
    %c0_i32_1 = arith.constant 0 : i32
    return %c0_i32, %c0_i32_0 : i32, i32
  }
  func.func @transform_5(%arg0: i32) -> (i32, i32) {
    %c0_i32 = arith.constant 0 : i32
    %c0_i32_0 = arith.constant 0 : i32
    %c0_i32_1 = arith.constant 0 : i32
    return %c0_i32, %c0_i32_0 : i32, i32
  }
  func.func @transform_6(%arg0: i32) -> (i32, i32) {
    %c0_i32 = arith.constant 0 : i32
    %c0_i32_0 = arith.constant 0 : i32
    return %arg0, %c0_i32 : i32, i32
  }
}

</mosaic_0001>

<sc_bundles>
// kernel: kernel.5.cloned.1.call-start
scs
__scs_entry_jumppad:
0x0: {  	(pc) =	sbr.rel $0x88, $3  }
0x1: {  	(tag) =	ssettag $0x0;
	lr =	simm.s32 $0x1  }
0x2: {  	[smem:$0x3F9A] =	sst lr;
	_ =	strace $0xD0000000  }
0x3: {  	_ = 	snop  }
0x4: {  	_ = 	snop  }
0x5: {  	_ = 	snop  }
0x6: {  	_ = 	snop  }
0x7: {  	_ = 	snop  }
__scs_overlays_trampoline_lowered:
0x8: {  	[smem:$0x3FA9] =	sst s0  }
0x9: {  	[smem:$0x3FAA] =	sst s1  }
0xa: {  	[smem:$0x3FAB] =	sst s2  }
0xb: {  	[smem:$0x3FAC] =	sst s3  }
0xc: {  	[smem:$0x3FAD] =	sst s4  }
0xd: {  	[smem:$0x3FAE] =	sst s5  }
0xe: {  	[smem:$0x3FAF] =	sst s6  }
0xf: {  	[smem:$0x3FB0] =	sst s7  }
0x10: {  	[smem:$0x3FB1] =	sst s8  }
0x11: {  	[smem:$0x3FB2] =	sst s9;
	s0 =	simm.s32 @!p0 $0x0  }
0x12: {  	s1 =	sld [smem:$0x3F98];
	s0 =	simm.s32 @p0 $0x1  }
0x13: {  	[smem:$0x3FB3] =	sst s0;
	s0 =	simm.s32 @!p1 $0x0  }
0x14: {  	s2 =	sld [smem:$0x3F97];
	s0 =	simm.s32 @p1 $0x1  }
0x15: {  	[smem:$0x3FB4] =	sst s0;
	s0 =	simm.s32 @!p2 $0x0  }
0x16: {  	s3 =	sld [smem:$0x3FDB];
	s0 =	simm.s32 @p2 $0x1  }
0x17: {  	s4 =	simm.s32 $0x1BF5;
	[smem:$0x3FB6] =	sst s0  }
0x18: {  	s0 =	sld [smem:$0x3F99];
	_ =	swait.ge [sflag:s4], $0x0  }
0x19: {  	s7 =	sld [smem:$0x3F9A]  }
0x1a: {  	s8 =	sadd.s32 $0xFFFFE003, lr  }
0x1b: {  	s9 =	sadd.s32 $0xFFFFFEF7, lr;
	s5 =	simm.s32 $0xFFFFFFFF;
	p2 =	slt.u32 s8, $0xFFFFF086  }
0x1c: {  	p1 =	slt.u32 s9, $0xF7A;
	s5 =	simm.s32 @!p2 $0x0  }
0x1d: {  	s5 =	simm.s32 @p1 $0x1;
	p0 =	seq.s32 s7, s2  }
0x1e: {  	s7 =	smul.u32 @!p0 $0xF7A, s2;
	p2 =	seq.s32 @!p0 s5, $0x0  }
0x1f: {  	s9 =	smul.u32 $0xF7A, s1;
	s8 =	simm.s32 @!p0 $0x1BF5;
	p2 =	por !p2, p0  }
0x20: {  	[sflag:s8] =	ssyncset.s32 @!p0 $0xFFFFF086;
	s6 =	sadd.s32 @!p0 s3, s7;
	s7 =	simm.s32 @!p0 $0x108  }
0x21: {  	s3 =	sadd.s32 s3, s9;
	s6 =	sadd.s32 @!p0 $0x88, s6;
	s7 =	simm.s32 @p2 $0x1082  }
0x22: {  	[simem:s7], [sflag:s8] =	dma.local @!p0 [hbm:s6], $0xF7A  }
0x23: {  	s9 =	sor.u32 $0xD0000000, s2;
	s6 =	simm.s32 $0x108;
	_ =	swait.ge @!p0 [sflag:s8], $0x0  }
0x24: {  	s3 =	sadd.s32 $0x88, s3;
	s6 =	simm.s32 @!p1 $0x1082;
	[sflag:s4] =	ssyncset.s32 $0xFFFFF086  }
0x25: {  	[simem:s6], [sflag:s4] =	dma.local [hbm:s3], $0xF7A  }
0x26: {  	[smem:$0x3F9A] =	sst s1;
	(tag) =	ssettag s2;
	_ =	strace s9  }
0x27: {  	s1 =	sld [smem:$0x3FAA]  }
0x28: {  	s2 =	sld [smem:$0x3FAB]  }
0x29: {  	s4 =	sld [smem:$0x3FAD]  }
0x2a: {  	p0 =	seq.s32 s5, $0x0;
	s5 =	sld [smem:$0x3FAE]  }
0x2b: {  	s6 =	sld [smem:$0x3FAF]  }
0x2c: {  	s7 =	sld [smem:$0x3FB0]  }
0x2d: {  	s3 =	simm.s32 $0x108;
	s8 =	sld [smem:$0x3FB1]  }
0x2e: {  	s3 =	simm.s32 @!p0 $0x1082;
	s9 =	sld [smem:$0x3FB2]  }
0x2f: {  	lr =	sadd.s32 s0, s3;
	s0 =	sld [smem:$0x3FA9]  }
0x30: {  	s3 =	sld [smem:$0x3FAC]  }
0x31: {  	[smem:$0x3FB5] =	sst s10  }
0x32: {  	s10 =	sld [smem:$0x3FB3];
	_ =	sdelay $0x3  }
0x33: {  	p0 =	seq.s32 s10, $0x1;
	s10 =	sld [smem:$0x3FB5];
	_ =	sdelay $0x3  }
0x34: {  	[smem:$0x3FB5] =	sst s10  }
0x35: {  	s10 =	sld [smem:$0x3FB4];
	_ =	sdelay $0x3  }
0x36: {  	p1 =	seq.s32 s10, $0x1;
	s10 =	sld [smem:$0x3FB5];
	_ =	sdelay $0x3  }
0x37: {  	[smem:$0x3FB5] =	sst s10  }
0x38: {  	s10 =	sld [smem:$0x3FB6]  }
0x39: {  	_ = 	snop;
	(pc) =	sbr.ind lr, $3  }
0x3a: {  	_ = 	snop  }
0x3b: {  	_ = 	snop  }
0x3c: {  	p2 =	seq.s32 s10, $0x1;
	s10 =	sld [smem:$0x3FB5]  }
0x3d: {  	_ =	shalt  }
0x3e: {  	_ =	shalt  }
0x3f: {  	_ =	shalt  }
0x40: {  	_ =	shalt  }
0x41: {  	_ =	shalt  }
0x42: {  	_ =	shalt  }
0x43: {  	_ =	shalt  }
0x44: {  	_ =	shalt  }
0x45: {  	_ =	shalt  }
0x46: {  	_ =	shalt  }
0x47: {  	_ =	shalt  }
0x48: {  	_ =	shalt  }
0x49: {  	_ =	shalt  }
0x4a: {  	_ =	shalt  }
0x4b: {  	_ =	shalt  }
0x4c: {  	_ =	shalt  }
0x4d: {  	_ =	shalt  }
0x4e: {  	_ =	shalt  }
0x4f: {  	_ =	shalt  }
0x50: {  	_ =	shalt  }
0x51: {  	_ =	shalt  }
0x52: {  	_ =	shalt  }
0x53: {  	_ =	shalt  }
0x54: {  	_ =	shalt  }
0x55: {  	_ =	shalt  }
0x56: {  	_ =	shalt  }
0x57: {  	_ =	shalt  }
0x58: {  	_ =	shalt  }
0x59: {  	_ =	shalt  }
0x5a: {  	_ =	shalt  }
0x5b: {  	_ =	shalt  }
0x5c: {  	_ =	shalt  }
0x5d: {  	_ =	shalt  }
0x5e: {  	_ =	shalt  }
0x5f: {  	_ =	shalt  }
0x60: {  	_ =	shalt  }
0x61: {  	_ =	shalt  }
0x62: {  	_ =	shalt  }
0x63: {  	_ =	shalt  }
0x64: {  	_ =	shalt  }
0x65: {  	_ =	shalt  }
0x66: {  	_ =	shalt  }
0x67: {  	_ =	shalt  }
0x68: {  	_ =	shalt  }
0x69: {  	_ =	shalt  }
0x6a: {  	_ =	shalt  }
0x6b: {  	_ =	shalt  }
0x6c: {  	_ =	shalt  }
0x6d: {  	_ =	shalt  }
0x6e: {  	_ =	shalt  }
0x6f: {  	_ =	shalt  }
0x70: {  	_ =	shalt  }
0x71: {  	_ =	shalt  }
0x72: {  	_ =	shalt  }
0x73: {  	_ =	shalt  }
0x74: {  	_ =	shalt  }
0x75: {  	_ =	shalt  }
0x76: {  	_ =	shalt  }
0x77: {  	_ =	shalt  }
0x78: {  	_ =	shalt  }
0x79: {  	_ =	shalt  }
0x7a: {  	_ =	shalt  }
0x7b: {  	_ =	shalt  }
0x7c: {  	_ =	shalt  }
0x7d: {  	_ =	shalt  }
0x7e: {  	_ =	shalt  }
0x7f: {  	_ =	shalt  }
0x80: {  	_ =	shalt  }
0x81: {  	_ =	shalt  }
0x82: {  	_ =	shalt  }
0x83: {  	_ =	shalt  }
0x84: {  	_ =	shalt  }
0x85: {  	_ =	shalt  }
0x86: {  	_ =	shalt  }
0x87: {  	_ =	shalt  }
.Lfunc_end0:
.L_simem_size_0:
called_computation_lowered:
.L_overlay_start_0:
0x88: {  	s2 =	sld [smem:$0x3FD9]  }
0x89: {  	s3 =	sld [smem:$0x3FFE];
	_ =	sdelay $0x1  }
0x8a: {  	s1 =	srdreg.scid  }
0x8b: {  	s0 =	sand.u32 $0x1, s1  }
0x8c: {  	s17 =	sshll.u32 s0, $0xA;
	s2 =	sadd.s32 s3, s2  }
0x8d: {  	s2 =	sadd.s32 s2, s17  }
0x8e: {  	[smem:$0x3FC1] =	sst s2  }
0x8f: {  	_ = 	snop  }
0x90: {  	s2 =	sld [smem:$0x3FD0];
	(tm) =	ssettm $0x1  }
0x91: {  	s18 =	sld [smem:$0x3FFB];
	_ =	sdelay $0x3  }
0x92: {  	_ =	strace s18  }
0x93: {  	s3 =	sld [smem:$0x3FFC];
	_ =	sdelay $0x3  }
0x94: {  	_ =	strace s3  }
0x95: {  	s3 =	sld [smem:$0x3FFD];
	_ =	sdelay $0x3  }
0x96: {  	_ =	strace s3  }
0x97: {  	_ =	strace $0x8FFFFFFF  }
0x98: {  	s19 =	sld [smem:$0x3FDB];
	_ =	sdelay $0x1  }
0x99: {  	s4 =	simm.s32 $_scs_section_size  }
0x9a: {  	s5 =	simm.s32 $_size__tile_overlayer_lowered;
	s6 =	simm.s32 $_tile_overlayer_lowered  }
0x9b: {  	s22 =	simm.s32 $0x1BFF;
	s21 =	sshll.u32 s6, $0x1;
	s3 =	sadd.s32 s4, s19  }
0x9c: {  	s7 =	simm.s32 $0x0;
	s20 =	sshll.u32 s5, $0x1;
	s5 =	sadd.s32 s21, s3  }
0x9d: {  	[timem:s7], [sflag:s22] =	dma.local [hbm:s5], s20  }
0x9e: {  	_ =	swait.ge [sflag:s22], s20  }
0x9f: {  	s4 =	ssub.s32 $0x0, s20;
	[sflag:s22] =	ssyncset.done $0x0  }
0xa0: {  	[sflag:s22] =	ssyncadd.s32 s4;
	_ =	sdelay $0x1  }
0xa1: {  	s23 =	simm.s32 $0x1B8B  }
0xa2: {  	_ =	swait.ge [sflag:s23], $0x1  }
0xa3: {  	[sflag:s23] =	ssyncset.done $0x0  }
0xa4: {  	s25 =	simm.s32 $0x1B8E;
	s24 =	sld [smem:$0x3FFE];
	[sflag:s23] =	ssyncadd.s32 $0xFFFFFFFF  }
0xa5: {  	s26 =	simm.s32 $execute0_lowered;
	[smem:$0x3FD2] =	sst s25  }
0xa6: {  	s5 =	sshll.u32 s26, $0x1;
	_ =	strace $0x80000046;
	[dreg:$0x1] =	wrdreg $0xFFFFFFFF  }
0xa7: {  	s28 =	simm.s32 $_size_execute0_lowered;
	s3 =	sadd.s32 s3, s5;
	[dreg:$0x0] =	wrdreg $0x0  }
0xa8: {  	s5 =	sshll.u32 s28, $0x1;
	[dreg:$0x2] =	wrdreg s3  }
0xa9: {  	[dreg:$0x3] =	wrdreg s5  }
0xaa: {  	[dreg:$0x4] =	wrdreg $0xC0  }
0xab: {  	_ =	task [dreg:s7], $0x5FFFF  }
0xac: {  	[dreg:$0x1] =	wrdreg $0xFFFFFFFF  }
0xad: {  	[dreg:$0x0] =	wrdreg $0x60  }
0xae: {  	[dreg:$0x2] =	wrdreg s24  }
0xaf: {  	[dreg:$0x3] =	wrdreg s2  }
0xb0: {  	[dreg:$0x4] =	wrdreg $0x0  }
0xb1: {  	[dreg:$0x5] =	wrdreg $0xA0000  }
0xb2: {  	[dreg:$0x6] =	wrdreg $0x9  }
0xb3: {  	_ =	task.clear_ibuf [dreg:s7], $0x7FFFF;
	_ =	strace $0x90000046  }
0xb4: {  	s29 =	simm.s32 $0x9;
	_ =	strace $0x80000048  }
0xb5: {  	_ =	swait.ge [sflag:s29], $0x1  }
0xb6: {  	[sflag:s29] =	ssyncadd.s32 $0xFFFFFFFF  }
0xb7: {  	_ =	strace $0x90000048  }
0xb8: {  	_ =	sfence  }
0xb9: {  	s30 =	sld [smem:$0x0];
	_ =	sdelay $0x2  }
0xba: {  	s31 =	sshll.u32 s1, $0xD;
	s1 =	sshrl.u32 s1, $0x2  }
0xbb: {  	s3 =	sand.u32 $0x4000, s31;
	s1 =	sadd.s32 s1, s30  }
0xbc: {  	s0 =	sor.u32 s3, s0;
	s1 =	sshll.u32 s1, $0x11  }
0xbd: {  	s0 =	sor.u32 s1, s0  }
0xbe: {  	s0 =	sadd.s32 $0x8F2B, s0  }
0xbf: {  	[sflag:s0] =	ssyncadd.remote.s32 $0x1  }
0xc0: {  	_ =	sfence.sel $0xFFFF  }
0xc1: {  	[dreg:$0x0] =	wrdreg $0xFFFFFFFF;
	(pc) =	sbr.abs _section_cstart, $3  }
0xc2: {  	[dreg:$0x1] =	wrdreg $0xFFFFFFFF  }
0xc3: {  	_ =	task.clear_ibuf [dreg:s7], $0x2FFFF;
	_ =	strace $0x9FFFFFFF  }
0xc4: {  	(tm) =	ssettm $0x7FFFFFFF  }
0xc5: {  	_ =	shalt  }
tec
execute0_lowered:
.L_overlay_start_1:
0x0: {  	(tag) =	ssettag $0x1  }
0x1: {  	s14 =	rddreg [dreg:$0x0]  }
0x2: {  	s0 =	rddreg [dreg:$0x1]  }
0x3: {  	s2 =	rddreg [dreg:$0x2]  }
0x4: {  	s3 =	rddreg [dreg:$0x3];
	s5 =	simm.s32 $0x0  }
0x5: {  	s1 =	srdreg.scid;
	s11 =	stileid.u32;
	s28 =	simm.s32 $0xDC40  }
0x6: {  	s29 =	simm.s32 $0x60;
	s30 =	simm.s32 $0xF080;
	s31 =	simm.s32 $0x10880  }
0x7: {  	[smem:$0x7FF] =	sst s5;
	s1 =	sand.u32 $0x1, s1;
	s4 =	smul.u32 $0x14000, s11  }
0x8: {  	s10 =	sadd.s32 $0x200, s14;
	s12 =	sadd.s32 $0x33800, s14;
	s13 =	sshll.u32 s11, $0x1  }
0x9: {  	s11 =	smul.u32 $0x2800, s11;
	_ =	strace $0x80000047;
	[dreg:$0x5] =	wrdreg s10  }
0xa: {  	s6 =	sadd.s32 $0x1FE00, s14;
	s9 =	smul.u32 $0x140000, s1;
	[dreg:$0x6] =	wrdreg s12  }
0xb: {  	s10 =	sor.u32 s1, s13;
	s12 =	ssub.s32 $0x2, s1;
	s1 =	smul.u32 $0x28000, s1  }
0xc: {  	s7 =	sadd.s32 $0x1600, s14;
	s8 =	sadd.s32 $0x10A00, s14;
	s13 =	smul.u32 $0x288, s10  }
0xd: {  	s15 =	sshrl.u32 s12, $0x1;
	s10 =	smul.u32 $0x1440, s10;
	s16 =	sadd.s32 s11, s3  }
0xe: {  	s9 =	sadd.s32 s4, s9;
	s12 =	ssub.s32 s12, s15;
	s4 =	sshrl.u32 s4, $0x1  }
0xf: {  	[dreg:$0x8] =	wrdreg s16;
	s1 =	sadd.s32 s11, s1;
	s4 =	sadd.s32 s4, s2  }
0x10: {  	s9 =	sshrl.u32 s9, $0x4;
	s17 =	sadd.s32 s7, s13;
	[dreg:$0x7] =	wrdreg s4  }
0x11: {  	s18 =	sadd.s32 s8, s13;
	s19 =	sshrl.u32 s10, $0x3;
	[dreg:$0x9] =	wrdreg s17  }
0x12: {  	s1 =	sshrl.u32 s1, $0x3;
	s9 =	sadd.s32 s9, s14;
	[dreg:$0xa] =	wrdreg s18  }
0x13: {  	s21 =	sadd.s32 $0x5100, s19;
	s14 =	sadd.s32 s0, s1;
	s26 =	sadd.s32 $0xA200, s19  }
0x14: {  	s0 =	simm.s32 $0x1;
	s4 =	simm.s32 $0x2;
	s20 =	sadd.s32 $0x33E00, s9  }
0x15: {  	s1 =	simm.s32 $0xDBE0;
	s22 =	sadd.s32 s7, s21;
	[dreg:$0xb] =	wrdreg s20  }
0x16: {  	s23 =	sadd.s32 s8, s21;
	s24 =	sadd.s32 $0x5BE00, s9;
	[dreg:$0xc] =	wrdreg s22  }
0x17: {  	s25 =	sadd.s32 $0xA000, s14;
	s19 =	sadd.s32 s7, s26;
	[dreg:$0xd] =	wrdreg s23  }
0x18: {  	s21 =	sadd.s32 $0x83E00, s9;
	s7 =	simm.s32 $0xEFC0;
	[dreg:$0xe] =	wrdreg s24  }
0x19: {  	s9 =	simm.s32 $0x0;
	[dreg:$0xf] =	wrdreg s25;
	s20 =	sadd.s32 s8, s26  }
0x1a: {  	s22 =	sadd.s32 $0x14000, s14;
	s23 =	smax.u32 s12, $0x1;
	s24 =	simm.s32 $0x12080  }
0x1b: {  	s25 =	simm.s32 $0x3;
	s26 =	simm.s32 $0xC800;
	s8 =	simm.s32 $0xF020  }
.LBB2_1:
0x1c: {  	s10 =	rddreg [dreg:$0x0];
	s15 =	stileid.u32  }
0x1d: {  	[tilespmem:s24], [sflag:$0x3] =	stream.linear.gather [hbm4b:s10+s5], $0x600, $0x38;
	[tilespmem:$0x12680] =	vst v63  }
0x1e: {  	s10 =	sshll.u32 s15, $0x6;
	_ =	swait.ge [sflag:s25], $0x600  }
0x1f: {  	s10 =	sor.u32 $0x1C03, s10;
	[sflag:s25] =	ssyncset.done $0x0;
	s11 =	rddreg [dreg:$0x7]  }
0x20: {  	s12 =	rddreg [dreg:$0x5];
	[sflag:s25] =	ssyncadd.s32 $0xFFFFFA00;
	s11 =	sshrl.u32 s11, $0x3  }
0x21: {  	[spmem:s11], [sflag:s10] =	dma.local [hbm:s12], $0x1400  }
0x22: {  	_ =	swait.ge [sflag:s25], $0x1400  }
0x23: {  	[sflag:s25] =	ssyncset.done $0x0;
	s16 =	rddreg [dreg:$0x8]  }
0x24: {  	s13 =	rddreg [dreg:$0x6];
	[sflag:s25] =	ssyncadd.s32 $0xFFFFEC00;
	s12 =	sshrl.u32 s16, $0x3  }
0x25: {  	[spmem:s12], [sflag:s10] =	dma.local [hbm:s13], $0x500  }
0x26: {  	_ =	swait.ge [sflag:s25], $0x500  }
0x27: {  	[sflag:s25] =	ssyncset.done $0x0  }
0x28: {  	s17 =	rddreg [dreg:$0x9];
	[sflag:s25] =	ssyncadd.s32 $0xFFFFFB00  }
0x29: {  	[tilespmem:s26], [sflag:$0x3] =	stream.linear.gather [hbm4b:s17+s5], $0x1440, $0x38;
	[tilespmem:$0x12680] =	vst v63  }
0x2a: {  	_ =	swait.ge [sflag:s25], $0x1440  }
0x2b: {  	[sflag:s25] =	ssyncset.done $0x0  }
0x2c: {  	s18 =	rddreg [dreg:$0xa];
	[sflag:s25] =	ssyncadd.s32 $0xFFFFEBC0  }
0x2d: {  	[tilespmem:s28], [sflag:$0x3] =	stream.linear.gather [hbm4b:s18+s5], $0x1440, $0x38;
	[tilespmem:$0x12680] =	vst v63  }
0x2e: {  	_ =	swait.ge [sflag:s25], $0x1440  }
0x2f: {  	[sflag:s25] =	ssyncset.done $0x0  }
0x30: {  	[sflag:s25] =	ssyncadd.s32 $0xFFFFEBC0  }
0x31: {  	[bflag:$0x0] =	sbarrier.arrive $0xFFFF  }
0x32: {  	[tilespmem:s30], [sflag:$0x1] =	stream.indirect.gather [hbm4b:s6+s29], $0x40, s26, s29, $0xb8;
	[tilespmem:$0x12680] =	vst v63  }
0x33: {  	s15 =	simm.s32 $0xC860  }
0x34: {  	[tilespmem:s31], [sflag:$0x2] =	stream.indirect.gather [hbm4b:s6+s29], $0x40, s15, s29, $0xb8;
	[tilespmem:$0x12680] =	vst v63  }
0x35: {  	_ =	swait.ge [sflag:s0], $0x1800  }
0x36: {  	[sflag:s0] =	ssyncset.done $0x0  }
0x37: {  	s16 =	simm.s32 $0xDC40;
	[sflag:s0] =	ssyncadd.s32 $0xFFFFE800  }
0x38: {  	[spmem:s2] =	stream.indirect.scatter.add.bf16 [tilespmem:s30], [sflag:$0x3], $0x40, s16, s29, $0xb8;
	[tilespmem:$0x12680] =	vst v63  }
0x39: {  	_ =	swait.ge [sflag:s25], $0x1800  }
0x3a: {  	[sflag:s25] =	ssyncset.done $0x0  }
0x3b: {  	[sflag:s25] =	ssyncadd.s32 $0xFFFFE800  }
0x3c: {  	[spmem:s3] =	stream.indirect.scatter.add.f32 [tilespmem:s24], [sflag:$0x3], $0x10, s16, s29, $0xb8;
	[tilespmem:$0x12680] =	vst v63  }
0x3d: {  	_ =	swait.ge [sflag:s25], $0x600  }
0x3e: {  	[sflag:s25] =	ssyncset.done $0x0  }
0x3f: {  	s17 =	simm.s32 $0xC8C0;
	[sflag:s25] =	ssyncadd.s32 $0xFFFFFA00  }
0x40: {  	[tilespmem:s30], [sflag:$0x1] =	stream.indirect.gather [hbm4b:s6+s29], $0x40, s17, s29, $0xb8;
	[tilespmem:$0x12680] =	vst v63  }
0x41: {  	_ =	swait.ge [sflag:s4], $0x1800  }
0x42: {  	[sflag:s4] =	ssyncset.done $0x0  }
0x43: {  	s18 =	simm.s32 $0xDCA0;
	[sflag:s4] =	ssyncadd.s32 $0xFFFFE800  }
0x44: {  	[spmem:s2] =	stream.indirect.scatter.add.bf16 [tilespmem:s31], [sflag:$0x3], $0x40, s18, s29, $0xb8;
	[tilespmem:$0x12680] =	vst v63  }
0x45: {  	_ =	swait.ge [sflag:s25], $0x1800  }
0x46: {  	[sflag:s25] =	ssyncset.done $0x0  }
0x47: {  	[sflag:s25] =	ssyncadd.s32 $0xFFFFE800  }
0x48: {  	[spmem:s3] =	stream.indirect.scatter.add.f32 [tilespmem:s24], [sflag:$0x3], $0x10, s18, s29, $0xb8;
	[tilespmem:$0x12680] =	vst v63  }
0x49: {  	_ =	swait.ge [sflag:s25], $0x600  }
0x4a: {  	s13 =	simm.s32 $0xC0;
	s15 =	simm.s32 $0x600;
	[sflag:s25] =	ssyncset.done $0x0  }
.LBB2_2:
0x4b: {  	s16 =	sadd.s32 $0xC860, s13  }
0x4c: {  	[sflag:s25] =	ssyncadd.s32 $0xFFFFFA00;
	s17 =	smov.u32 s15;
	s18 =	sadd.s32 $0x300, s15  }
0x4d: {  	[tilespmem:s31], [sflag:$0x2] =	stream.indirect.gather [hbm4b:s6+s29], $0x40, s16, s29, $0xb8;
	[tilespmem:$0x12680] =	vst v63  }
0x4e: {  	p0 =	sne.s32 s15, $0x4B00;
	_ =	swait.ge [sflag:s0], $0x1800  }
0x4f: {  	[sflag:s0] =	ssyncset.done $0x0  }
0x50: {  	s15 =	sadd.s32 $0xDC40, s13;
	[sflag:s0] =	ssyncadd.s32 $0xFFFFE800  }
0x51: {  	[spmem:s2] =	stream.indirect.scatter.add.bf16 [tilespmem:s30], [sflag:$0x3], $0x40, s15, s29, $0xb8;
	[tilespmem:$0x12680] =	vst v63  }
0x52: {  	_ =	swait.ge [sflag:s25], $0x1800  }
0x53: {  	[sflag:s25] =	ssyncset.done $0x0  }
0x54: {  	[sflag:s25] =	ssyncadd.s32 $0xFFFFE800  }
0x55: {  	[spmem:s3] =	stream.indirect.scatter.add.f32 [tilespmem:s24], [sflag:$0x3], $0x10, s15, s29, $0xb8;
	[tilespmem:$0x12680] =	vst v63  }
0x56: {  	_ =	swait.ge [sflag:s25], $0x600  }
0x57: {  	[sflag:s25] =	ssyncset.done $0x0  }
0x58: {  	s15 =	sadd.s32 $0xC8C0, s13;
	[sflag:s25] =	ssyncadd.s32 $0xFFFFFA00  }
0x59: {  	[tilespmem:s30], [sflag:$0x1] =	stream.indirect.gather [hbm4b:s6+s29], $0x40, s15, s29, $0xb8;
	[tilespmem:$0x12680] =	vst v63  }
0x5a: {  	_ =	swait.ge [sflag:s4], $0x1800  }
0x5b: {  	[sflag:s4] =	ssyncset.done $0x0  }
0x5c: {  	s13 =	sadd.s32 $0xDCA0, s13;
	[sflag:s4] =	ssyncadd.s32 $0xFFFFE800  }
0x5d: {  	[spmem:s2] =	stream.indirect.scatter.add.bf16 [tilespmem:s31], [sflag:$0x3], $0x40, s13, s29, $0xb8;
	[tilespmem:$0x12680] =	vst v63  }
0x5e: {  	_ =	swait.ge [sflag:s25], $0x1800  }
.Ltmp0:
0x5f: {  	[sflag:s25] =	ssyncset.done $0x0;
	(pc) =	sbr.rel @p0 .LBB2_2-.Ltmp0, $4  }
0x60: {  	[sflag:s25] =	ssyncadd.s32 $0xFFFFE800  }
0x61: {  	[spmem:s3] =	stream.indirect.scatter.add.f32 [tilespmem:s24], [sflag:$0x3], $0x10, s13, s29, $0xb8;
	[tilespmem:$0x12680] =	vst v63  }
0x62: {  	_ =	swait.ge [sflag:s25], $0x600  }
0x63: {  	s15 =	smov.u32 s18;
	s13 =	sshra.s32 s17, $0x2;
	[sflag:s25] =	ssyncset.done $0x0  }
0x64: {  	s15 =	sadd.s32 $0xC860, s13;
	[sflag:s25] =	ssyncadd.s32 $0xFFFFFA00  }
0x65: {  	[tilespmem:s31], [sflag:$0x2] =	stream.indirect.gather [hbm4b:s6+s29], $0x40, s15, s29, $0xb8;
	[tilespmem:$0x12680] =	vst v63  }
0x66: {  	_ =	swait.ge [sflag:s0], $0x1800  }
0x67: {  	[sflag:s0] =	ssyncset.done $0x0  }
0x68: {  	s16 =	sadd.s32 $0xDC40, s13;
	[sflag:s0] =	ssyncadd.s32 $0xFFFFE800  }
0x69: {  	[spmem:s2] =	stream.indirect.scatter.add.bf16 [tilespmem:s30], [sflag:$0x3], $0x40, s16, s29, $0xb8;
	[tilespmem:$0x12680] =	vst v63  }
0x6a: {  	_ =	swait.ge [sflag:s25], $0x1800  }
0x6b: {  	[sflag:s25] =	ssyncset.done $0x0  }
0x6c: {  	[sflag:s25] =	ssyncadd.s32 $0xFFFFE800  }
0x6d: {  	[spmem:s3] =	stream.indirect.scatter.add.f32 [tilespmem:s24], [sflag:$0x3], $0x10, s16, s29, $0xb8;
	[tilespmem:$0x12680] =	vst v63  }
0x6e: {  	_ =	swait.ge [sflag:s25], $0x600  }
0x6f: {  	[sflag:s25] =	ssyncset.done $0x0  }
0x70: {  	s17 =	sadd.s32 $0xC8C0, s13;
	[sflag:s25] =	ssyncadd.s32 $0xFFFFFA00  }
0x71: {  	[tilespmem:s30], [sflag:$0x1] =	stream.indirect.gather [hbm4b:s6+s29], $0x40, s17, s29, $0xb8;
	[tilespmem:$0x12680] =	vst v63  }
0x72: {  	_ =	swait.ge [sflag:s4], $0x1800  }
0x73: {  	[sflag:s4] =	ssyncset.done $0x0  }
0x74: {  	s18 =	sadd.s32 $0xDCA0, s13;
	[sflag:s4] =	ssyncadd.s32 $0xFFFFE800  }
0x75: {  	[spmem:s2] =	stream.indirect.scatter.add.bf16 [tilespmem:s31], [sflag:$0x3], $0x40, s18, s29, $0xb8;
	[tilespmem:$0x12680] =	vst v63  }
0x76: {  	_ =	swait.ge [sflag:s25], $0x1800  }
0x77: {  	[sflag:s25] =	ssyncset.done $0x0  }
0x78: {  	[sflag:s25] =	ssyncadd.s32 $0xFFFFE800  }
0x79: {  	[spmem:s3] =	stream.indirect.scatter.add.f32 [tilespmem:s24], [sflag:$0x3], $0x10, s18, s29, $0xb8;
	[tilespmem:$0x12680] =	vst v63  }
0x7a: {  	_ =	swait.ge [sflag:s25], $0x600  }
0x7b: {  	[sflag:s25] =	ssyncset.done $0x0  }
0x7c: {  	[sflag:s25] =	ssyncadd.s32 $0xFFFFFA00  }
0x7d: {  	[tilespmem:s31], [sflag:$0x2] =	stream.indirect.gather [hbm4b:s6+s29], $0x40, s1, s29, $0xb8;
	[tilespmem:$0x12680] =	vst v63  }
0x7e: {  	_ =	swait.ge [sflag:s0], $0x1800  }
0x7f: {  	[sflag:s0] =	ssyncset.done $0x0  }
0x80: {  	[sflag:s0] =	ssyncadd.s32 $0xFFFFE800  }
0x81: {  	[spmem:s2] =	stream.indirect.scatter.add.bf16 [tilespmem:s30], [sflag:$0x3], $0x40, s7, s29, $0xb8;
	[tilespmem:$0x12680] =	vst v63  }
0x82: {  	_ =	swait.ge [sflag:s25], $0x1800  }
0x83: {  	[sflag:s25] =	ssyncset.done $0x0  }
0x84: {  	[sflag:s25] =	ssyncadd.s32 $0xFFFFE800  }
0x85: {  	[spmem:s3] =	stream.indirect.scatter.add.f32 [tilespmem:s24], [sflag:$0x3], $0x10, s7, s29, $0xb8;
	[tilespmem:$0x12680] =	vst v63  }
0x86: {  	_ =	swait.ge [sflag:s25], $0x600  }
0x87: {  	[sflag:s25] =	ssyncset.done $0x0  }
0x88: {  	[sflag:s25] =	ssyncadd.s32 $0xFFFFFA00  }
0x89: {  	_ =	swait.ge [sflag:s4], $0x1800  }
0x8a: {  	[sflag:s4] =	ssyncset.done $0x0  }
0x8b: {  	[sflag:s4] =	ssyncadd.s32 $0xFFFFE800  }
0x8c: {  	[spmem:s2] =	stream.indirect.scatter.add.bf16 [tilespmem:s31], [sflag:$0x3], $0x40, s8, s29, $0xb8;
	[tilespmem:$0x12680] =	vst v63  }
0x8d: {  	_ =	swait.ge [sflag:s25], $0x1800  }
0x8e: {  	[sflag:s25] =	ssyncset.done $0x0  }
0x8f: {  	[sflag:s25] =	ssyncadd.s32 $0xFFFFE800  }
0x90: {  	[spmem:s3] =	stream.indirect.scatter.add.f32 [tilespmem:s24], [sflag:$0x3], $0x10, s8, s29, $0xb8;
	[tilespmem:$0x12680] =	vst v63  }
0x91: {  	_ =	swait.ge [sflag:s25], $0x600  }
0x92: {  	[sflag:s25] =	ssyncset.done $0x0  }
0x93: {  	[sflag:s25] =	ssyncadd.s32 $0xFFFFFA00  }
0x94: {  	[bflag:$0x0] =	sbarrier.arrive $0xFFFF  }
0x95: {  	s15 =	rddreg [dreg:$0xb]  }
0x96: {  	[hbm:s15], [sflag:s10] =	dma.local [spmem:s11], $0x1400  }
0x97: {  	_ =	swait.ge [sflag:s25], $0x1400  }
0x98: {  	[sflag:s25] =	ssyncset.done $0x0  }
0x99: {  	[sflag:s25] =	ssyncadd.s32 $0xFFFFEC00  }
0x9a: {  	[hbm:s14], [sflag:s10] =	dma.local [spmem:s12], $0x500  }
0x9b: {  	_ =	swait.ge [sflag:s25], $0x500  }
0x9c: {  	[sflag:s25] =	ssyncset.done $0x0  }
0x9d: {  	[sflag:s25] =	ssyncadd.s32 $0xFFFFFB00  }
0x9e: {  	[bflag:$0x0] =	sbarrier.arrive $0xFFFF  }
0x9f: {  	s16 =	simm.s32 $0x0;
	s17 =	rddreg [dreg:$0xc]  }
0xa0: {  	[tilespmem:s26], [sflag:$0x3] =	stream.linear.gather [hbm4b:s17+s16], $0x1440, $0x38;
	[tilespmem:$0x12680] =	vst v63  }
0xa1: {  	_ =	swait.ge [sflag:s25], $0x1440  }
0xa2: {  	[sflag:s25] =	ssyncset.done $0x0  }
0xa3: {  	s18 =	rddreg [dreg:$0xd];
	[sflag:s25] =	ssyncadd.s32 $0xFFFFEBC0  }
0xa4: {  	[tilespmem:s28], [sflag:$0x3] =	stream.linear.gather [hbm4b:s18+s16], $0x1440, $0x38;
	[tilespmem:$0x12680] =	vst v63  }
0xa5: {  	_ =	swait.ge [sflag:s25], $0x1440  }
0xa6: {  	[sflag:s25] =	ssyncset.done $0x0  }
0xa7: {  	[sflag:s25] =	ssyncadd.s32 $0xFFFFEBC0  }
0xa8: {  	[bflag:$0x0] =	sbarrier.arrive $0xFFFF  }
0xa9: {  	[tilespmem:s30], [sflag:$0x1] =	stream.indirect.gather [hbm4b:s6+s29], $0x40, s26, s29, $0xb8;
	[tilespmem:$0x12680] =	vst v63  }
0xaa: {  	s15 =	simm.s32 $0xC860  }
0xab: {  	[tilespmem:s31], [sflag:$0x2] =	stream.indirect.gather [hbm4b:s6+s29], $0x40, s15, s29, $0xb8;
	[tilespmem:$0x12680] =	vst v63  }
0xac: {  	_ =	swait.ge [sflag:s0], $0x1800  }
0xad: {  	[sflag:s0] =	ssyncset.done $0x0  }
0xae: {  	s16 =	simm.s32 $0xDC40;
	[sflag:s0] =	ssyncadd.s32 $0xFFFFE800  }
0xaf: {  	[spmem:s2] =	stream.indirect.scatter.add.bf16 [tilespmem:s30], [sflag:$0x3], $0x40, s16, s29, $0xb8;
	[tilespmem:$0x12680] =	vst v63  }
0xb0: {  	_ =	swait.ge [sflag:s25], $0x1800  }
0xb1: {  	[sflag:s25] =	ssyncset.done $0x0  }
0xb2: {  	[sflag:s25] =	ssyncadd.s32 $0xFFFFE800  }
0xb3: {  	[spmem:s3] =	stream.indirect.scatter.add.f32 [tilespmem:s24], [sflag:$0x3], $0x10, s16, s29, $0xb8;
	[tilespmem:$0x12680] =	vst v63  }
0xb4: {  	_ =	swait.ge [sflag:s25], $0x600  }
0xb5: {  	[sflag:s25] =	ssyncset.done $0x0  }
0xb6: {  	s17 =	simm.s32 $0xC8C0;
	[sflag:s25] =	ssyncadd.s32 $0xFFFFFA00  }
0xb7: {  	[tilespmem:s30], [sflag:$0x1] =	stream.indirect.gather [hbm4b:s6+s29], $0x40, s17, s29, $0xb8;
	[tilespmem:$0x12680] =	vst v63  }
0xb8: {  	_ =	swait.ge [sflag:s4], $0x1800  }
0xb9: {  	[sflag:s4] =	ssyncset.done $0x0  }
0xba: {  	s18 =	simm.s32 $0xDCA0;
	[sflag:s4] =	ssyncadd.s32 $0xFFFFE800  }
0xbb: {  	[spmem:s2] =	stream.indirect.scatter.add.bf16 [tilespmem:s31], [sflag:$0x3], $0x40, s18, s29, $0xb8;
	[tilespmem:$0x12680] =	vst v63  }
0xbc: {  	_ =	swait.ge [sflag:s25], $0x1800  }
0xbd: {  	[sflag:s25] =	ssyncset.done $0x0  }
0xbe: {  	[sflag:s25] =	ssyncadd.s32 $0xFFFFE800  }
0xbf: {  	[spmem:s3] =	stream.indirect.scatter.add.f32 [tilespmem:s24], [sflag:$0x3], $0x10, s18, s29, $0xb8;
	[tilespmem:$0x12680] =	vst v63  }
0xc0: {  	_ =	swait.ge [sflag:s25], $0x600  }
0xc1: {  	s13 =	simm.s32 $0xC0;
	s15 =	simm.s32 $0x600;
	[sflag:s25] =	ssyncset.done $0x0  }
.LBB2_4:
0xc2: {  	s16 =	sadd.s32 $0xC860, s13  }
0xc3: {  	[sflag:s25] =	ssyncadd.s32 $0xFFFFFA00;
	s17 =	smov.u32 s15;
	s18 =	sadd.s32 $0x300, s15  }
0xc4: {  	[tilespmem:s31], [sflag:$0x2] =	stream.indirect.gather [hbm4b:s6+s29], $0x40, s16, s29, $0xb8;
	[tilespmem:$0x12680] =	vst v63  }
0xc5: {  	p0 =	sne.s32 s15, $0x4B00;
	_ =	swait.ge [sflag:s0], $0x1800  }
0xc6: {  	[sflag:s0] =	ssyncset.done $0x0  }
0xc7: {  	s15 =	sadd.s32 $0xDC40, s13;
	[sflag:s0] =	ssyncadd.s32 $0xFFFFE800  }
0xc8: {  	[spmem:s2] =	stream.indirect.scatter.add.bf16 [tilespmem:s30], [sflag:$0x3], $0x40, s15, s29, $0xb8;
	[tilespmem:$0x12680] =	vst v63  }
0xc9: {  	_ =	swait.ge [sflag:s25], $0x1800  }
0xca: {  	[sflag:s25] =	ssyncset.done $0x0  }
0xcb: {  	[sflag:s25] =	ssyncadd.s32 $0xFFFFE800  }
0xcc: {  	[spmem:s3] =	stream.indirect.scatter.add.f32 [tilespmem:s24], [sflag:$0x3], $0x10, s15, s29, $0xb8;
	[tilespmem:$0x12680] =	vst v63  }
0xcd: {  	_ =	swait.ge [sflag:s25], $0x600  }
0xce: {  	[sflag:s25] =	ssyncset.done $0x0  }
0xcf: {  	s15 =	sadd.s32 $0xC8C0, s13;
	[sflag:s25] =	ssyncadd.s32 $0xFFFFFA00  }
0xd0: {  	[tilespmem:s30], [sflag:$0x1] =	stream.indirect.gather [hbm4b:s6+s29], $0x40, s15, s29, $0xb8;
	[tilespmem:$0x12680] =	vst v63  }
0xd1: {  	_ =	swait.ge [sflag:s4], $0x1800  }
0xd2: {  	[sflag:s4] =	ssyncset.done $0x0  }
0xd3: {  	s13 =	sadd.s32 $0xDCA0, s13;
	[sflag:s4] =	ssyncadd.s32 $0xFFFFE800  }
0xd4: {  	[spmem:s2] =	stream.indirect.scatter.add.bf16 [tilespmem:s31], [sflag:$0x3], $0x40, s13, s29, $0xb8;
	[tilespmem:$0x12680] =	vst v63  }
0xd5: {  	_ =	swait.ge [sflag:s25], $0x1800  }
.Ltmp1:
0xd6: {  	[sflag:s25] =	ssyncset.done $0x0;
	(pc) =	sbr.rel @p0 .LBB2_4-.Ltmp1, $4  }
0xd7: {  	[sflag:s25] =	ssyncadd.s32 $0xFFFFE800  }
0xd8: {  	[spmem:s3] =	stream.indirect.scatter.add.f32 [tilespmem:s24], [sflag:$0x3], $0x10, s13, s29, $0xb8;
	[tilespmem:$0x12680] =	vst v63  }
0xd9: {  	_ =	swait.ge [sflag:s25], $0x600  }
0xda: {  	s15 =	smov.u32 s18;
	s13 =	sshra.s32 s17, $0x2;
	[sflag:s25] =	ssyncset.done $0x0  }
0xdb: {  	s15 =	sadd.s32 $0xC860, s13;
	[sflag:s25] =	ssyncadd.s32 $0xFFFFFA00  }
0xdc: {  	[tilespmem:s31], [sflag:$0x2] =	stream.indirect.gather [hbm4b:s6+s29], $0x40, s15, s29, $0xb8;
	[tilespmem:$0x12680] =	vst v63  }
0xdd: {  	_ =	swait.ge [sflag:s0], $0x1800  }
0xde: {  	[sflag:s0] =	ssyncset.done $0x0  }
0xdf: {  	s17 =	sadd.s32 $0xDC40, s13;
	[sflag:s0] =	ssyncadd.s32 $0xFFFFE800  }
0xe0: {  	[spmem:s2] =	stream.indirect.scatter.add.bf16 [tilespmem:s30], [sflag:$0x3], $0x40, s17, s29, $0xb8;
	[tilespmem:$0x12680] =	vst v63  }
0xe1: {  	_ =	swait.ge [sflag:s25], $0x1800  }
0xe2: {  	[sflag:s25] =	ssyncset.done $0x0  }
0xe3: {  	[sflag:s25] =	ssyncadd.s32 $0xFFFFE800  }
0xe4: {  	[spmem:s3] =	stream.indirect.scatter.add.f32 [tilespmem:s24], [sflag:$0x3], $0x10, s17, s29, $0xb8;
	[tilespmem:$0x12680] =	vst v63  }
0xe5: {  	_ =	swait.ge [sflag:s25], $0x600  }
0xe6: {  	[sflag:s25] =	ssyncset.done $0x0  }
0xe7: {  	s18 =	sadd.s32 $0xC8C0, s13;
	[sflag:s25] =	ssyncadd.s32 $0xFFFFFA00  }
0xe8: {  	[tilespmem:s30], [sflag:$0x1] =	stream.indirect.gather [hbm4b:s6+s29], $0x40, s18, s29, $0xb8;
	[tilespmem:$0x12680] =	vst v63  }
0xe9: {  	_ =	swait.ge [sflag:s4], $0x1800  }
0xea: {  	[sflag:s4] =	ssyncset.done $0x0  }
0xeb: {  	s15 =	sadd.s32 $0xDCA0, s13;
	[sflag:s4] =	ssyncadd.s32 $0xFFFFE800  }
0xec: {  	[spmem:s2] =	stream.indirect.scatter.add.bf16 [tilespmem:s31], [sflag:$0x3], $0x40, s15, s29, $0xb8;
	[tilespmem:$0x12680] =	vst v63  }
0xed: {  	_ =	swait.ge [sflag:s25], $0x1800  }
0xee: {  	[sflag:s25] =	ssyncset.done $0x0  }
0xef: {  	[sflag:s25] =	ssyncadd.s32 $0xFFFFE800  }
0xf0: {  	[spmem:s3] =	stream.indirect.scatter.add.f32 [tilespmem:s24], [sflag:$0x3], $0x10, s15, s29, $0xb8;
	[tilespmem:$0x12680] =	vst v63  }
0xf1: {  	_ =	swait.ge [sflag:s25], $0x600  }
0xf2: {  	[sflag:s25] =	ssyncset.done $0x0  }
0xf3: {  	[sflag:s25] =	ssyncadd.s32 $0xFFFFFA00  }
0xf4: {  	[tilespmem:s31], [sflag:$0x2] =	stream.indirect.gather [hbm4b:s6+s29], $0x40, s1, s29, $0xb8;
	[tilespmem:$0x12680] =	vst v63  }
0xf5: {  	_ =	swait.ge [sflag:s0], $0x1800  }
0xf6: {  	[sflag:s0] =	ssyncset.done $0x0  }
0xf7: {  	[sflag:s0] =	ssyncadd.s32 $0xFFFFE800  }
0xf8: {  	[spmem:s2] =	stream.indirect.scatter.add.bf16 [tilespmem:s30], [sflag:$0x3], $0x40, s7, s29, $0xb8;
	[tilespmem:$0x12680] =	vst v63  }
0xf9: {  	_ =	swait.ge [sflag:s25], $0x1800  }
0xfa: {  	[sflag:s25] =	ssyncset.done $0x0  }
0xfb: {  	[sflag:s25] =	ssyncadd.s32 $0xFFFFE800  }
0xfc: {  	[spmem:s3] =	stream.indirect.scatter.add.f32 [tilespmem:s24], [sflag:$0x3], $0x10, s7, s29, $0xb8;
	[tilespmem:$0x12680] =	vst v63  }
0xfd: {  	_ =	swait.ge [sflag:s25], $0x600  }
0xfe: {  	[sflag:s25] =	ssyncset.done $0x0  }
0xff: {  	[sflag:s25] =	ssyncadd.s32 $0xFFFFFA00  }
0x100: {  	_ =	swait.ge [sflag:s4], $0x1800  }
0x101: {  	[sflag:s4] =	ssyncset.done $0x0  }
0x102: {  	[sflag:s4] =	ssyncadd.s32 $0xFFFFE800  }
0x103: {  	[spmem:s2] =	stream.indirect.scatter.add.bf16 [tilespmem:s31], [sflag:$0x3], $0x40, s8, s29, $0xb8;
	[tilespmem:$0x12680] =	vst v63  }
0x104: {  	_ =	swait.ge [sflag:s25], $0x1800  }
0x105: {  	[sflag:s25] =	ssyncset.done $0x0  }
0x106: {  	[sflag:s25] =	ssyncadd.s32 $0xFFFFE800  }
0x107: {  	[spmem:s3] =	stream.indirect.scatter.add.f32 [tilespmem:s24], [sflag:$0x3], $0x10, s8, s29, $0xb8;
	[tilespmem:$0x12680] =	vst v63  }
0x108: {  	_ =	swait.ge [sflag:s25], $0x600  }
0x109: {  	[sflag:s25] =	ssyncset.done $0x0  }
0x10a: {  	[sflag:s25] =	ssyncadd.s32 $0xFFFFFA00  }
0x10b: {  	[bflag:$0x0] =	sbarrier.arrive $0xFFFF  }
0x10c: {  	s16 =	rddreg [dreg:$0xe]  }
0x10d: {  	[hbm:s16], [sflag:s10] =	dma.local [spmem:s11], $0x1400  }
0x10e: {  	_ =	swait.ge [sflag:s25], $0x1400  }
0x10f: {  	[sflag:s25] =	ssyncset.done $0x0  }
0x110: {  	s17 =	rddreg [dreg:$0xf];
	[sflag:s25] =	ssyncadd.s32 $0xFFFFEC00  }
0x111: {  	[hbm:s17], [sflag:s10] =	dma.local [spmem:s12], $0x500  }
0x112: {  	_ =	swait.ge [sflag:s25], $0x500  }
0x113: {  	[sflag:s25] =	ssyncset.done $0x0  }
0x114: {  	[sflag:s25] =	ssyncadd.s32 $0xFFFFFB00  }
0x115: {  	s18 =	simm.s32 $0x0;
	[bflag:$0x0] =	sbarrier.arrive $0xFFFF  }
0x116: {  	[tilespmem:s26], [sflag:$0x3] =	stream.linear.gather [hbm4b:s19+s18], $0x1440, $0x38;
	[tilespmem:$0x12680] =	vst v63  }
0x117: {  	_ =	swait.ge [sflag:s25], $0x1440  }
0x118: {  	[sflag:s25] =	ssyncset.done $0x0  }
0x119: {  	[sflag:s25] =	ssyncadd.s32 $0xFFFFEBC0  }
0x11a: {  	[tilespmem:s28], [sflag:$0x3] =	stream.linear.gather [hbm4b:s20+s18], $0x1440, $0x38;
	[tilespmem:$0x12680] =	vst v63  }
0x11b: {  	_ =	swait.ge [sflag:s25], $0x1440  }
0x11c: {  	[sflag:s25] =	ssyncset.done $0x0  }
0x11d: {  	[sflag:s25] =	ssyncadd.s32 $0xFFFFEBC0  }
0x11e: {  	[bflag:$0x0] =	sbarrier.arrive $0xFFFF  }
0x11f: {  	[tilespmem:s30], [sflag:$0x1] =	stream.indirect.gather [hbm4b:s6+s29], $0x40, s26, s29, $0xb8;
	[tilespmem:$0x12680] =	vst v63  }
0x120: {  	s15 =	simm.s32 $0xC860  }
0x121: {  	[tilespmem:s31], [sflag:$0x2] =	stream.indirect.gather [hbm4b:s6+s29], $0x40, s15, s29, $0xb8;
	[tilespmem:$0x12680] =	vst v63  }
0x122: {  	_ =	swait.ge [sflag:s0], $0x1800  }
0x123: {  	[sflag:s0] =	ssyncset.done $0x0  }
0x124: {  	s16 =	simm.s32 $0xDC40;
	[sflag:s0] =	ssyncadd.s32 $0xFFFFE800  }
0x125: {  	[spmem:s2] =	stream.indirect.scatter.add.bf16 [tilespmem:s30], [sflag:$0x3], $0x40, s16, s29, $0xb8;
	[tilespmem:$0x12680] =	vst v63  }
0x126: {  	_ =	swait.ge [sflag:s25], $0x1800  }
0x127: {  	[sflag:s25] =	ssyncset.done $0x0  }
0x128: {  	[sflag:s25] =	ssyncadd.s32 $0xFFFFE800  }
0x129: {  	[spmem:s3] =	stream.indirect.scatter.add.f32 [tilespmem:s24], [sflag:$0x3], $0x10, s16, s29, $0xb8;
	[tilespmem:$0x12680] =	vst v63  }
0x12a: {  	_ =	swait.ge [sflag:s25], $0x600  }
0x12b: {  	[sflag:s25] =	ssyncset.done $0x0  }
0x12c: {  	s17 =	simm.s32 $0xC8C0;
	[sflag:s25] =	ssyncadd.s32 $0xFFFFFA00  }
0x12d: {  	[tilespmem:s30], [sflag:$0x1] =	stream.indirect.gather [hbm4b:s6+s29], $0x40, s17, s29, $0xb8;
	[tilespmem:$0x12680] =	vst v63  }
0x12e: {  	_ =	swait.ge [sflag:s4], $0x1800  }
0x12f: {  	[sflag:s4] =	ssyncset.done $0x0  }
0x130: {  	s18 =	simm.s32 $0xDCA0;
	[sflag:s4] =	ssyncadd.s32 $0xFFFFE800  }
0x131: {  	[spmem:s2] =	stream.indirect.scatter.add.bf16 [tilespmem:s31], [sflag:$0x3], $0x40, s18, s29, $0xb8;
	[tilespmem:$0x12680] =	vst v63  }
0x132: {  	_ =	swait.ge [sflag:s25], $0x1800  }
0x133: {  	[sflag:s25] =	ssyncset.done $0x0  }
0x134: {  	[sflag:s25] =	ssyncadd.s32 $0xFFFFE800  }
0x135: {  	[spmem:s3] =	stream.indirect.scatter.add.f32 [tilespmem:s24], [sflag:$0x3], $0x10, s18, s29, $0xb8;
	[tilespmem:$0x12680] =	vst v63  }
0x136: {  	_ =	swait.ge [sflag:s25], $0x600  }
0x137: {  	s13 =	simm.s32 $0xC0;
	s15 =	simm.s32 $0x600;
	[sflag:s25] =	ssyncset.done $0x0  }
.LBB2_6:
0x138: {  	s16 =	sadd.s32 $0xC860, s13  }
0x139: {  	[sflag:s25] =	ssyncadd.s32 $0xFFFFFA00;
	s17 =	smov.u32 s15;
	s18 =	sadd.s32 $0x300, s15  }
0x13a: {  	[tilespmem:s31], [sflag:$0x2] =	stream.indirect.gather [hbm4b:s6+s29], $0x40, s16, s29, $0xb8;
	[tilespmem:$0x12680] =	vst v63  }
0x13b: {  	p0 =	sne.s32 s15, $0x4B00;
	_ =	swait.ge [sflag:s0], $0x1800  }
0x13c: {  	[sflag:s0] =	ssyncset.done $0x0  }
0x13d: {  	s15 =	sadd.s32 $0xDC40, s13;
	[sflag:s0] =	ssyncadd.s32 $0xFFFFE800  }
0x13e: {  	[spmem:s2] =	stream.indirect.scatter.add.bf16 [tilespmem:s30], [sflag:$0x3], $0x40, s15, s29, $0xb8;
	[tilespmem:$0x12680] =	vst v63  }
0x13f: {  	_ =	swait.ge [sflag:s25], $0x1800  }
0x140: {  	[sflag:s25] =	ssyncset.done $0x0  }
0x141: {  	[sflag:s25] =	ssyncadd.s32 $0xFFFFE800  }
0x142: {  	[spmem:s3] =	stream.indirect.scatter.add.f32 [tilespmem:s24], [sflag:$0x3], $0x10, s15, s29, $0xb8;
	[tilespmem:$0x12680] =	vst v63  }
0x143: {  	_ =	swait.ge [sflag:s25], $0x600  }
0x144: {  	[sflag:s25] =	ssyncset.done $0x0  }
0x145: {  	s15 =	sadd.s32 $0xC8C0, s13;
	[sflag:s25] =	ssyncadd.s32 $0xFFFFFA00  }
0x146: {  	[tilespmem:s30], [sflag:$0x1] =	stream.indirect.gather [hbm4b:s6+s29], $0x40, s15, s29, $0xb8;
	[tilespmem:$0x12680] =	vst v63  }
0x147: {  	_ =	swait.ge [sflag:s4], $0x1800  }
0x148: {  	[sflag:s4] =	ssyncset.done $0x0  }
0x149: {  	s13 =	sadd.s32 $0xDCA0, s13;
	[sflag:s4] =	ssyncadd.s32 $0xFFFFE800  }
0x14a: {  	[spmem:s2] =	stream.indirect.scatter.add.bf16 [tilespmem:s31], [sflag:$0x3], $0x40, s13, s29, $0xb8;
	[tilespmem:$0x12680] =	vst v63  }
0x14b: {  	_ =	swait.ge [sflag:s25], $0x1800  }
.Ltmp2:
0x14c: {  	[sflag:s25] =	ssyncset.done $0x0;
	(pc) =	sbr.rel @p0 .LBB2_6-.Ltmp2, $4  }
0x14d: {  	[sflag:s25] =	ssyncadd.s32 $0xFFFFE800  }
0x14e: {  	[spmem:s3] =	stream.indirect.scatter.add.f32 [tilespmem:s24], [sflag:$0x3], $0x10, s13, s29, $0xb8;
	[tilespmem:$0x12680] =	vst v63  }
0x14f: {  	_ =	swait.ge [sflag:s25], $0x600  }
0x150: {  	s15 =	smov.u32 s18;
	s13 =	sshra.s32 s17, $0x2;
	[sflag:s25] =	ssyncset.done $0x0  }
0x151: {  	s15 =	sadd.s32 $0xC860, s13;
	[sflag:s25] =	ssyncadd.s32 $0xFFFFFA00  }
0x152: {  	[tilespmem:s31], [sflag:$0x2] =	stream.indirect.gather [hbm4b:s6+s29], $0x40, s15, s29, $0xb8;
	[tilespmem:$0x12680] =	vst v63  }
0x153: {  	_ =	swait.ge [sflag:s0], $0x1800  }
0x154: {  	[sflag:s0] =	ssyncset.done $0x0  }
0x155: {  	s16 =	sadd.s32 $0xDC40, s13;
	[sflag:s0] =	ssyncadd.s32 $0xFFFFE800  }
0x156: {  	[spmem:s2] =	stream.indirect.scatter.add.bf16 [tilespmem:s30], [sflag:$0x3], $0x40, s16, s29, $0xb8;
	[tilespmem:$0x12680] =	vst v63  }
0x157: {  	_ =	swait.ge [sflag:s25], $0x1800  }
0x158: {  	[sflag:s25] =	ssyncset.done $0x0  }
0x159: {  	[sflag:s25] =	ssyncadd.s32 $0xFFFFE800  }
0x15a: {  	[spmem:s3] =	stream.indirect.scatter.add.f32 [tilespmem:s24], [sflag:$0x3], $0x10, s16, s29, $0xb8;
	[tilespmem:$0x12680] =	vst v63  }
0x15b: {  	_ =	swait.ge [sflag:s25], $0x600  }
0x15c: {  	[sflag:s25] =	ssyncset.done $0x0  }
0x15d: {  	s17 =	sadd.s32 $0xC8C0, s13;
	[sflag:s25] =	ssyncadd.s32 $0xFFFFFA00  }
0x15e: {  	[tilespmem:s30], [sflag:$0x1] =	stream.indirect.gather [hbm4b:s6+s29], $0x40, s17, s29, $0xb8;
	[tilespmem:$0x12680] =	vst v63  }
0x15f: {  	_ =	swait.ge [sflag:s4], $0x1800  }
0x160: {  	[sflag:s4] =	ssyncset.done $0x0  }
0x161: {  	s18 =	sadd.s32 $0xDCA0, s13;
	[sflag:s4] =	ssyncadd.s32 $0xFFFFE800  }
0x162: {  	[spmem:s2] =	stream.indirect.scatter.add.bf16 [tilespmem:s31], [sflag:$0x3], $0x40, s18, s29, $0xb8;
	[tilespmem:$0x12680] =	vst v63  }
0x163: {  	_ =	swait.ge [sflag:s25], $0x1800  }
0x164: {  	[sflag:s25] =	ssyncset.done $0x0  }
0x165: {  	[sflag:s25] =	ssyncadd.s32 $0xFFFFE800  }
0x166: {  	[spmem:s3] =	stream.indirect.scatter.add.f32 [tilespmem:s24], [sflag:$0x3], $0x10, s18, s29, $0xb8;
	[tilespmem:$0x12680] =	vst v63  }
0x167: {  	_ =	swait.ge [sflag:s25], $0x600  }
0x168: {  	[sflag:s25] =	ssyncset.done $0x0  }
0x169: {  	[sflag:s25] =	ssyncadd.s32 $0xFFFFFA00  }
0x16a: {  	[tilespmem:s31], [sflag:$0x2] =	stream.indirect.gather [hbm4b:s6+s29], $0x40, s1, s29, $0xb8;
	[tilespmem:$0x12680] =	vst v63  }
0x16b: {  	_ =	swait.ge [sflag:s0], $0x1800  }
0x16c: {  	[sflag:s0] =	ssyncset.done $0x0  }
0x16d: {  	[sflag:s0] =	ssyncadd.s32 $0xFFFFE800  }
0x16e: {  	[spmem:s2] =	stream.indirect.scatter.add.bf16 [tilespmem:s30], [sflag:$0x3], $0x40, s7, s29, $0xb8;
	[tilespmem:$0x12680] =	vst v63  }
0x16f: {  	_ =	swait.ge [sflag:s25], $0x1800  }
0x170: {  	[sflag:s25] =	ssyncset.done $0x0  }
0x171: {  	[sflag:s25] =	ssyncadd.s32 $0xFFFFE800  }
0x172: {  	[spmem:s3] =	stream.indirect.scatter.add.f32 [tilespmem:s24], [sflag:$0x3], $0x10, s7, s29, $0xb8;
	[tilespmem:$0x12680] =	vst v63  }
0x173: {  	_ =	swait.ge [sflag:s25], $0x600  }
0x174: {  	[sflag:s25] =	ssyncset.done $0x0  }
0x175: {  	[sflag:s25] =	ssyncadd.s32 $0xFFFFFA00  }
0x176: {  	_ =	swait.ge [sflag:s4], $0x1800  }
0x177: {  	[sflag:s4] =	ssyncset.done $0x0  }
0x178: {  	[sflag:s4] =	ssyncadd.s32 $0xFFFFE800  }
0x179: {  	[spmem:s2] =	stream.indirect.scatter.add.bf16 [tilespmem:s31], [sflag:$0x3], $0x40, s8, s29, $0xb8;
	[tilespmem:$0x12680] =	vst v63  }
0x17a: {  	_ =	swait.ge [sflag:s25], $0x1800  }
0x17b: {  	[sflag:s25] =	ssyncset.done $0x0  }
0x17c: {  	[sflag:s25] =	ssyncadd.s32 $0xFFFFE800  }
0x17d: {  	[spmem:s3] =	stream.indirect.scatter.add.f32 [tilespmem:s24], [sflag:$0x3], $0x10, s8, s29, $0xb8;
	[tilespmem:$0x12680] =	vst v63  }
0x17e: {  	_ =	swait.ge [sflag:s25], $0x600  }
0x17f: {  	[sflag:s25] =	ssyncset.done $0x0  }
0x180: {  	[sflag:s25] =	ssyncadd.s32 $0xFFFFFA00  }
0x181: {  	[bflag:$0x0] =	sbarrier.arrive $0xFFFF  }
0x182: {  	[hbm:s21], [sflag:s10] =	dma.local [spmem:s11], $0x1400  }
0x183: {  	_ =	swait.ge [sflag:s25], $0x1400  }
0x184: {  	s9 =	sadd.s32 $0x1, s9;
	[sflag:s25] =	ssyncset.done $0x0  }
0x185: {  	p0 =	sne.s32 s9, s23;
	[sflag:s25] =	ssyncadd.s32 $0xFFFFEC00  }
0x186: {  	[hbm:s22], [sflag:s10] =	dma.local [spmem:s12], $0x500  }
.Ltmp3:
0x187: {  	_ =	swait.ge [sflag:s25], $0x500;
	(pc) =	sbr.rel @p0 .LBB2_1-.Ltmp3, $3  }
0x188: {  	[sflag:s25] =	ssyncset.done $0x0  }
0x189: {  	[sflag:s25] =	ssyncadd.s32 $0xFFFFFB00  }
0x18a: {  	[bflag:$0x0] =	sbarrier.arrive $0xFFFF;
	_ =	sdelay $0x1  }
0x18b: {  	_ =	sfence.sel $0x180000  }
0x18c: {  	[bflag:$0x0] =	sbarrier.arrive $0xFFFF  }
0x18d: {  	_ =	strace $0x90000047  }
0x18e: {  	s0 =	stileid.u32;
	[bflag:$0x2] =	sbarrier.arrive $0xFFFF  }
0x18f: {  	p0 =	sne.s32 s0, $0x0;
	s0 =	rddreg [dreg:$0x4]  }
0x190: {  	s0 =	sadd.s32 @!p0 $0x100000, s0  }
0x191: {  	[sflag:s0] =	ssyncadd.tile.s32 @!p0 $0x1;
	_ =	shalt  }
.Lfunc_end2:
_tile_overlayer_lowered:
.L_overlay_start_2:
0x192: {  	(tag) =	ssettag $0x2  }
0x193: {  	s0 =	rddreg [dreg:$0x0];
	s2 =	stileid.u32  }
0x194: {  	s1 =	rddreg [dreg:$0x1];
	p0 =	sne.s32 s2, $0x0  }
0x195: {  	s3 =	rddreg [dreg:$0x2];
	[bflag:$0x3] =	sbarrier.arrive $0xFFFF;
	s2 =	simm.s32 @!p0 $0x1C03  }
0x196: {  	[timem:s3], [sflag:s2] =	dma.local @!p0 [hbm:s0], s1  }
0x197: {  	s0 =	simm.s32 @!p0 $0x3  }
0x198: {  	_ =	swait.ge @!p0 [sflag:s0], s1  }
0x199: {  	s1 =	ssub.s32 @!p0 $0x0, s1;
	[sflag:s0] =	ssyncset.done @!p0 $0x0  }
0x19a: {  	[sflag:s0] =	ssyncadd.s32 @!p0 s1  }
0x19b: {  	[bflag:$0x3] =	sbarrier.arrive $0xFFFF  }
0x19c: {  	_ =	shalt  }

</sc_bundles>
